<compile_context>
chip_gen: v7x
topology: tpu7x:2x2x1
jax: 0.10.2.dev20260603
libtpu: 0.0.44.dev20260713+nightly
codegen_flags: <defaults>
</compile_context>

<pallas_src>
import functools
import math

import jax
import jax.numpy as jnp
from jax import lax
from jax.experimental import pallas as pl
from jax.experimental.pallas import tpu as pltpu
from jax.experimental.pallas import tpu_sc as plsc

D = 64
SCALE = math.sqrt(D)
N_PAIRS = 500000

NC = 2
NS = 16
NW = NC * NS
L = 16

CHUNK = 128
NBUF = 2
RUNROLL = 4


def _emb_kernel(n_chunks, cpp, idx_hbm, lut_hbm, out_hbm,
                idx_v, rows_v, tbuf_v, gsems, wsems):
    wid = lax.axis_index("s") * NC + lax.axis_index("c")
    pltpu.sync_copy(idx_hbm.at[wid], idx_v)

    iota = lax.iota(jnp.int32, L)
    dtv = [(iota + g * L) >> 3 for g in range(D // L)]
    drv = [(iota + g * L) & 7 for g in range(D // L)]

    def start_gather(j, b):
        pltpu.async_copy(lut_hbm.at[idx_v.at[j]], rows_v.at[b], gsems.at[b])

    def out_dst(jj):
        g = wid * n_chunks + jj
        return out_hbm.at[g // cpp, :, lax.rem(g, cpp)]

    for b in range(NBUF):
        start_gather(b, b)

    def body(j):
        for b in range(NBUF):
            jj = j + b
            pltpu.make_async_copy(lut_hbm.at[idx_v.at[jj]],
                                  rows_v.at[b], gsems.at[b]).wait()
            @pl.when(jj >= NBUF)
            def _():
                pltpu.make_async_copy(tbuf_v.at[b, :, :, pl.ds(0, CHUNK)],
                                      out_dst(jj - NBUF),
                                      wsems.at[b]).wait()
            def tstep(i):
                for r in range(RUNROLL):
                    br = i + r
                    colv = jnp.full((L,), br, jnp.int32)
                    for g in range(D // L):
                        v = rows_v[b, br, pl.ds(g * L, L)] * SCALE
                        plsc.store_scatter(tbuf_v.at[b],
                                           [dtv[g], drv[g], colv], v)
            pl.loop(0, CHUNK, step=RUNROLL)(tstep)
            pltpu.async_copy(tbuf_v.at[b, :, :, pl.ds(0, CHUNK)],
                             out_dst(jj), wsems.at[b])
            @pl.when(jj + NBUF < n_chunks)
            def _():
                start_gather(jj + NBUF, b)

    pl.loop(0, n_chunks, step=NBUF)(body)

    for b in range(NBUF):
        jj = n_chunks - NBUF + b
        pltpu.make_async_copy(tbuf_v.at[b, :, :, pl.ds(0, CHUNK)],
                              out_dst(jj), wsems.at[b]).wait()


@jax.jit
def kernel(x, lut):
    n_batch, n_pos = x.shape
    B = n_batch * n_pos
    n_chunks = B // (NW * CHUNK)
    cpp = n_batch // CHUNK
    idx = x.T.astype(jnp.int32).reshape(NW, n_chunks, CHUNK)
    lut2 = jax.lax.optimization_barrier(lut.reshape(N_PAIRS, 2 * D))
    lut_rm = lut2.reshape(lut.shape)

    mesh = plsc.VectorSubcoreMesh(core_axis_name="c", subcore_axis_name="s")
    run = pl.kernel(
        functools.partial(_emb_kernel, n_chunks, cpp),
        out_type=jax.ShapeDtypeStruct((n_pos, 8, cpp, 8, CHUNK),
                                      jnp.float32),
        mesh=mesh,
        scratch_types=[
            pltpu.VMEM((n_chunks, CHUNK), jnp.int32),
            pltpu.VMEM((NBUF, CHUNK, D), jnp.float32),
            pltpu.VMEM((NBUF, 8, 8, CHUNK + 1), jnp.float32),
            pltpu.SemaphoreType.DMA((NBUF,)),
            pltpu.SemaphoreType.DMA((NBUF,)),
        ],
        compiler_params=pltpu.CompilerParams(use_tc_tiling_on_sc=False,
                                             needs_layout_passes=False),
    )
    t5 = run(idx, lut_rm)
    o = t5.transpose(0, 1, 3, 2, 4).reshape(n_pos, D, n_batch)
    return o.transpose(2, 0, 1)

# --- scband reference (transcript-rebuilt; emitter-appended) ---
"""Pipeline reference for scband-embeddings-27444841022160 (READ-ONLY COPY).

The authoritative reference and input builder live on the scoring server;
editing this copy changes nothing except your own understanding.
"""

import jax, jax.numpy as jnp
import numpy as np
import math

N_TOKEN = 1000000
D_EMB = 64

def setup_inputs(seed: int = 0) -> dict:
    key = jax.random.key(seed)
    k1, k2 = jax.random.split(key)
    x = jax.random.randint(k1, (16384, 50), 0, N_TOKEN, dtype=jnp.int64 if jax.config.jax_enable_x64 else jnp.int32)
    lut = jax.random.normal(k2, (N_TOKEN, D_EMB), dtype=jnp.float32)
    return {"x": x, "lut": lut}

def reference(x, lut):
    # Embeddings.forward: self.lut(x) * math.sqrt(self.d_emb)
    emb = jnp.take(lut, x, axis=0)
    return emb * math.sqrt(D_EMB)

if __name__ == "__main__":
    import jax
    _d = setup_inputs()
    print(jax.jit(kernel)(*tuple(_d.values())))

</pallas_src>

<mosaic_0001>
#map = affine_map<(d0, d1) -> (0, 0, 0)>
#map1 = affine_map<(d0, d1) -> (0, 0)>
#map2 = affine_map<(d0, d1) -> (0, 0, 0, 0, 0)>
module attributes {stable_mosaic.version = 14 : i64} {
  func.func @_emb_kernel(%arg0: i32, %arg1: i32, %arg2: memref<32x200x128xi32, #tpu.memory_space<hbm>>, %arg3: memref<1000000x64xf32, #tpu.memory_space<hbm>>, %arg4: memref<50x8x128x8x128xf32, #tpu.memory_space<hbm>>, %arg5: memref<200x128xi32, #tpu.memory_space<vmem>>, %arg6: memref<2x128x64xf32, #tpu.memory_space<vmem>>, %arg7: memref<2x8x8x129xf32, #tpu.memory_space<vmem>>, %arg8: memref<2x!tpu.dma_semaphore, #tpu.memory_space<semaphore_mem>>, %arg9: memref<2x!tpu.dma_semaphore, #tpu.memory_space<semaphore_mem>>) attributes {dimension_semantics = [#tpu.dimension_semantics<core_parallel>, #tpu.dimension_semantics<subcore_parallel>], iteration_bounds = array<i64: 2, 16>, scalar_prefetch = 0 : i64, scratch_operands = 5 : i64, tpu.core_type = #tpu.core_type<sc_vector_subcore>, window_params = [{transform_indices = #map}, {transform_indices = #map1}, {transform_indices = #map2}]} {
    %mul3A = arith.constant 2 : i32
    %mul3A_0 = arith.muli %arg1, %mul3A : i32
    %add3A = arith.addi %mul3A_0, %arg0 : i32
    "tpu.region"() ({
      %run_scoped3A = tpu.sem_alloc : memref<!tpu.dma_semaphore, #tpu.memory_space<semaphore_mem>>
      %dma_start3A_180 = arith.constant 0 : i32
      %dma_start3A_181 = arith.constant 0 : i32
      %dma_start3A_182 = tpu.memref_slice %arg2[%add3A, %dma_start3A_180, %dma_start3A_181] : memref<32x200x128xi32, #tpu.memory_space<hbm>> -> memref<1x200x128xi32, #tpu.memory_space<hbm>>
      %dma_start3A_183 = tpu.memref_squeeze %dma_start3A_182 : memref<1x200x128xi32, #tpu.memory_space<hbm>> -> memref<200x128xi32, #tpu.memory_space<hbm>>
      %dma_start3A_184 = arith.constant 0 : i32
      %dma_start3A_185 = arith.constant 0 : i32
      %dma_start3A_186 = tpu.memref_slice %arg2[%add3A, %dma_start3A_184, %dma_start3A_185] : memref<32x200x128xi32, #tpu.memory_space<hbm>> -> memref<1x200x128xi32, #tpu.memory_space<hbm>>
      %dma_start3A_187 = tpu.memref_squeeze %dma_start3A_186 : memref<1x200x128xi32, #tpu.memory_space<hbm>> -> memref<200x128xi32, #tpu.memory_space<hbm>>
      tpu.enqueue_dma source(%dma_start3A_187 : memref<200x128xi32, #tpu.memory_space<hbm>>) target(%arg5 : memref<200x128xi32, #tpu.memory_space<vmem>>) target_semaphore(%run_scoped3A : memref<!tpu.dma_semaphore, #tpu.memory_space<semaphore_mem>>)
      %dma_wait3A_188 = arith.constant 0 : i32
      %dma_wait3A_189 = arith.constant 0 : i32
      %dma_wait3A_190 = tpu.memref_slice %arg2[%add3A, %dma_wait3A_188, %dma_wait3A_189] : memref<32x200x128xi32, #tpu.memory_space<hbm>> -> memref<1x200x128xi32, #tpu.memory_space<hbm>>
      %dma_wait3A_191 = tpu.memref_squeeze %dma_wait3A_190 : memref<1x200x128xi32, #tpu.memory_space<hbm>> -> memref<200x128xi32, #tpu.memory_space<hbm>>
      %dma_wait3A_192 = arith.constant 0 : i32
      %dma_wait3A_193 = arith.constant 0 : i32
      %dma_wait3A_194 = tpu.memref_slice %arg2[%add3A, %dma_wait3A_192, %dma_wait3A_193] : memref<32x200x128xi32, #tpu.memory_space<hbm>> -> memref<1x200x128xi32, #tpu.memory_space<hbm>>
      %dma_wait3A_195 = tpu.memref_squeeze %dma_wait3A_194 : memref<1x200x128xi32, #tpu.memory_space<hbm>> -> memref<200x128xi32, #tpu.memory_space<hbm>>
      tpu.wait_dma2 semaphore(%run_scoped3A : memref<!tpu.dma_semaphore, #tpu.memory_space<semaphore_mem>>) src(%dma_wait3A_195 : memref<200x128xi32, #tpu.memory_space<hbm>>) dst(%arg5 : memref<200x128xi32, #tpu.memory_space<vmem>>)
      tpu.yield
    }) : () -> ()
    %iota3A = tpu.iota {dimensions = array<i32: 0>} : vector<16xi32>
    %add3A_1 = arith.constant 0 : i32
    %add3A_2 = vector.broadcast %add3A_1 : i32 to vector<16xi32>
    %add3A_3 = arith.addi %iota3A, %add3A_2 : vector<16xi32>
    %shift_right_arithmetic3A = arith.constant 3 : i32
    %shift_right_arithmetic3A_4 = vector.broadcast %shift_right_arithmetic3A : i32 to vector<16xi32>
    %shift_right_arithmetic3A_5 = arith.shrsi %add3A_3, %shift_right_arithmetic3A_4 : vector<16xi32>
    %add3A_6 = arith.constant 16 : i32
    %add3A_7 = vector.broadcast %add3A_6 : i32 to vector<16xi32>
    %add3A_8 = arith.addi %iota3A, %add3A_7 : vector<16xi32>
    %shift_right_arithmetic3A_9 = arith.constant 3 : i32
    %shift_right_arithmetic3A_10 = vector.broadcast %shift_right_arithmetic3A_9 : i32 to vector<16xi32>
    %shift_right_arithmetic3A_11 = arith.shrsi %add3A_8, %shift_right_arithmetic3A_10 : vector<16xi32>
    %add3A_12 = arith.constant 32 : i32
    %add3A_13 = vector.broadcast %add3A_12 : i32 to vector<16xi32>
    %add3A_14 = arith.addi %iota3A, %add3A_13 : vector<16xi32>
    %shift_right_arithmetic3A_15 = arith.constant 3 : i32
    %shift_right_arithmetic3A_16 = vector.broadcast %shift_right_arithmetic3A_15 : i32 to vector<16xi32>
    %shift_right_arithmetic3A_17 = arith.shrsi %add3A_14, %shift_right_arithmetic3A_16 : vector<16xi32>
    %add3A_18 = arith.constant 48 : i32
    %add3A_19 = vector.broadcast %add3A_18 : i32 to vector<16xi32>
    %add3A_20 = arith.addi %iota3A, %add3A_19 : vector<16xi32>
    %shift_right_arithmetic3A_21 = arith.constant 3 : i32
    %shift_right_arithmetic3A_22 = vector.broadcast %shift_right_arithmetic3A_21 : i32 to vector<16xi32>
    %shift_right_arithmetic3A_23 = arith.shrsi %add3A_20, %shift_right_arithmetic3A_22 : vector<16xi32>
    %add3A_24 = arith.constant 0 : i32
    %add3A_25 = vector.broadcast %add3A_24 : i32 to vector<16xi32>
    %add3A_26 = arith.addi %iota3A, %add3A_25 : vector<16xi32>
    %and3A = arith.constant 7 : i32
    %and3A_27 = vector.broadcast %and3A : i32 to vector<16xi32>
    %and3A_28 = arith.andi %add3A_26, %and3A_27 : vector<16xi32>
    %add3A_29 = arith.constant 16 : i32
    %add3A_30 = vector.broadcast %add3A_29 : i32 to vector<16xi32>
    %add3A_31 = arith.addi %iota3A, %add3A_30 : vector<16xi32>
    %and3A_32 = arith.constant 7 : i32
    %and3A_33 = vector.broadcast %and3A_32 : i32 to vector<16xi32>
    %and3A_34 = arith.andi %add3A_31, %and3A_33 : vector<16xi32>
    %add3A_35 = arith.constant 32 : i32
    %add3A_36 = vector.broadcast %add3A_35 : i32 to vector<16xi32>
    %add3A_37 = arith.addi %iota3A, %add3A_36 : vector<16xi32>
    %and3A_38 = arith.constant 7 : i32
    %and3A_39 = vector.broadcast %and3A_38 : i32 to vector<16xi32>
    %and3A_40 = arith.andi %add3A_37, %and3A_39 : vector<16xi32>
    %add3A_41 = arith.constant 48 : i32
    %add3A_42 = vector.broadcast %add3A_41 : i32 to vector<16xi32>
    %add3A_43 = arith.addi %iota3A, %add3A_42 : vector<16xi32>
    %and3A_44 = arith.constant 7 : i32
    %and3A_45 = vector.broadcast %and3A_44 : i32 to vector<16xi32>
    %and3A_46 = arith.andi %add3A_43, %and3A_45 : vector<16xi32>
    %dma_start3A = arith.constant 0 : i32
    %dma_start3A_47 = arith.constant 0 : i32
    %dma_start3A_48 = arith.constant 0 : i32
    %dma_start3A_49 = arith.constant 0 : i32
    %dma_start3A_50 = arith.constant 0 : i32
    %dma_start3A_51 = tpu.memref_slice %arg6[%dma_start3A_47, %dma_start3A_49, %dma_start3A_50] : memref<2x128x64xf32, #tpu.memory_space<vmem>> -> memref<1x128x64xf32, #tpu.memory_space<vmem>>
    %dma_start3A_52 = tpu.memref_squeeze %dma_start3A_51 : memref<1x128x64xf32, #tpu.memory_space<vmem>> -> memref<128x64xf32, #tpu.memory_space<vmem>>
    %dma_start3A_53 = arith.constant 0 : i32
    %dma_start3A_54 = tpu.memref_slice %arg5[%dma_start3A, %dma_start3A_53] : memref<200x128xi32, #tpu.memory_space<vmem>> -> memref<1x128xi32, #tpu.memory_space<vmem>>
    %dma_start3A_55 = tpu.memref_squeeze %dma_start3A_54 : memref<1x128xi32, #tpu.memory_space<vmem>> -> memref<128xi32, #tpu.memory_space<vmem>>
    %dma_start3A_56 = arith.constant 0 : i32
    %dma_start3A_57 = arith.constant 0 : i32
    %dma_start3A_58 = tpu.memref_slice %arg3[%dma_start3A_56, %dma_start3A_57] : memref<1000000x64xf32, #tpu.memory_space<hbm>> -> memref<1000000x64xf32, #tpu.memory_space<hbm>>
    %dma_start3A_59 = tpu.memref_slice %arg8[%dma_start3A_48] : memref<2x!tpu.dma_semaphore, #tpu.memory_space<semaphore_mem>> -> memref<1x!tpu.dma_semaphore, #tpu.memory_space<semaphore_mem>>
    %dma_start3A_60 = tpu.memref_squeeze %dma_start3A_59 : memref<1x!tpu.dma_semaphore, #tpu.memory_space<semaphore_mem>> -> memref<!tpu.dma_semaphore, #tpu.memory_space<semaphore_mem>>
    tpu.enqueue_indirect_dma source(%dma_start3A_58 : memref<1000000x64xf32, #tpu.memory_space<hbm>>) target(%dma_start3A_52 : memref<128x64xf32, #tpu.memory_space<vmem>>) offsets(%dma_start3A_55 : memref<128xi32, #tpu.memory_space<vmem>>) semaphore(%dma_start3A_60 : memref<!tpu.dma_semaphore, #tpu.memory_space<semaphore_mem>>)
    %dma_start3A_61 = arith.constant 1 : i32
    %dma_start3A_62 = arith.constant 1 : i32
    %dma_start3A_63 = arith.constant 1 : i32
    %dma_start3A_64 = arith.constant 0 : i32
    %dma_start3A_65 = arith.constant 0 : i32
    %dma_start3A_66 = tpu.memref_slice %arg6[%dma_start3A_62, %dma_start3A_64, %dma_start3A_65] : memref<2x128x64xf32, #tpu.memory_space<vmem>> -> memref<1x128x64xf32, #tpu.memory_space<vmem>>
    %dma_start3A_67 = tpu.memref_squeeze %dma_start3A_66 : memref<1x128x64xf32, #tpu.memory_space<vmem>> -> memref<128x64xf32, #tpu.memory_space<vmem>>
    %dma_start3A_68 = arith.constant 0 : i32
    %dma_start3A_69 = tpu.memref_slice %arg5[%dma_start3A_61, %dma_start3A_68] : memref<200x128xi32, #tpu.memory_space<vmem>> -> memref<1x128xi32, #tpu.memory_space<vmem>>
    %dma_start3A_70 = tpu.memref_squeeze %dma_start3A_69 : memref<1x128xi32, #tpu.memory_space<vmem>> -> memref<128xi32, #tpu.memory_space<vmem>>
    %dma_start3A_71 = arith.constant 0 : i32
    %dma_start3A_72 = arith.constant 0 : i32
    %dma_start3A_73 = tpu.memref_slice %arg3[%dma_start3A_71, %dma_start3A_72] : memref<1000000x64xf32, #tpu.memory_space<hbm>> -> memref<1000000x64xf32, #tpu.memory_space<hbm>>
    %dma_start3A_74 = tpu.memref_slice %arg8[%dma_start3A_63] : memref<2x!tpu.dma_semaphore, #tpu.memory_space<semaphore_mem>> -> memref<1x!tpu.dma_semaphore, #tpu.memory_space<semaphore_mem>>
    %dma_start3A_75 = tpu.memref_squeeze %dma_start3A_74 : memref<1x!tpu.dma_semaphore, #tpu.memory_space<semaphore_mem>> -> memref<!tpu.dma_semaphore, #tpu.memory_space<semaphore_mem>>
    tpu.enqueue_indirect_dma source(%dma_start3A_73 : memref<1000000x64xf32, #tpu.memory_space<hbm>>) target(%dma_start3A_67 : memref<128x64xf32, #tpu.memory_space<vmem>>) offsets(%dma_start3A_70 : memref<128xi32, #tpu.memory_space<vmem>>) semaphore(%dma_start3A_75 : memref<!tpu.dma_semaphore, #tpu.memory_space<semaphore_mem>>)
    %scan3A = arith.constant 0 : i32
    %scan3A_76 = arith.constant 100 : i32
    %scan3A_77 = arith.addi %scan3A, %scan3A_76 : i32
    %scan3A_78 = arith.constant 1 : i32
    scf.for %scan3A_180 = %scan3A to %scan3A_77 step %scan3A_78  : i32 {
      %mul3A_181 = arith.constant 2 : i32
      %mul3A_182 = arith.muli %scan3A_180, %mul3A_181 : i32
      %add3A_183 = arith.constant 0 : i32
      %add3A_184 = arith.addi %add3A_183, %mul3A_182 : i32
      %add3A_185 = arith.constant 0 : i32
      %add3A_186 = arith.addi %add3A_184, %add3A_185 : i32
      %dma_wait3A_187 = arith.constant 0 : i32
      %dma_wait3A_188 = arith.constant 0 : i32
      %dma_wait3A_189 = arith.constant 0 : i32
      %dma_wait3A_190 = arith.constant 0 : i32
      %dma_wait3A_191 = tpu.memref_slice %arg6[%dma_wait3A_187, %dma_wait3A_189, %dma_wait3A_190] : memref<2x128x64xf32, #tpu.memory_space<vmem>> -> memref<1x128x64xf32, #tpu.memory_space<vmem>>
      %dma_wait3A_192 = tpu.memref_squeeze %dma_wait3A_191 : memref<1x128x64xf32, #tpu.memory_space<vmem>> -> memref<128x64xf32, #tpu.memory_space<vmem>>
      %dma_wait3A_193 = arith.constant 0 : i32
      %dma_wait3A_194 = tpu.memref_slice %arg5[%add3A_186, %dma_wait3A_193] : memref<200x128xi32, #tpu.memory_space<vmem>> -> memref<1x128xi32, #tpu.memory_space<vmem>>
      %dma_wait3A_195 = tpu.memref_squeeze %dma_wait3A_194 : memref<1x128xi32, #tpu.memory_space<vmem>> -> memref<128xi32, #tpu.memory_space<vmem>>
      %dma_wait3A_196 = arith.constant 0 : i32
      %dma_wait3A_197 = arith.constant 0 : i32
      %dma_wait3A_198 = tpu.memref_slice %arg3[%dma_wait3A_196, %dma_wait3A_197] : memref<1000000x64xf32, #tpu.memory_space<hbm>> -> memref<1000000x64xf32, #tpu.memory_space<hbm>>
      %dma_wait3A_199 = tpu.memref_slice %arg8[%dma_wait3A_188] : memref<2x!tpu.dma_semaphore, #tpu.memory_space<semaphore_mem>> -> memref<1x!tpu.dma_semaphore, #tpu.memory_space<semaphore_mem>>
      %dma_wait3A_200 = tpu.memref_squeeze %dma_wait3A_199 : memref<1x!tpu.dma_semaphore, #tpu.memory_space<semaphore_mem>> -> memref<!tpu.dma_semaphore, #tpu.memory_space<semaphore_mem>>
      tpu.wait_indirect_dma semaphore(%dma_wait3A_200 : memref<!tpu.dma_semaphore, #tpu.memory_space<semaphore_mem>>) src(%dma_wait3A_198 : memref<1000000x64xf32, #tpu.memory_space<hbm>>) dst(%dma_wait3A_192 : memref<128x64xf32, #tpu.memory_space<vmem>>)
      %ge3A = arith.constant 2 : i32
      %ge3A_201 = arith.cmpi sge, %add3A_186, %ge3A : i32
      %convert_element_type3A = arith.extui %ge3A_201 : i1 to i32
      %cond3A = arith.constant 0 : i32
      %cond3A_202 = arith.cmpi ne, %convert_element_type3A, %cond3A : i32
      scf.if %cond3A_202 {
        %sub3A_353 = arith.constant 2 : i32
        %sub3A_354 = arith.subi %add3A_186, %sub3A_353 : i32
        %mul3A_355 = arith.constant 200 : i32
        %mul3A_356 = arith.muli %add3A, %mul3A_355 : i32
        %add3A_357 = arith.addi %mul3A_356, %sub3A_354 : i32
        %jit3A_358 = arith.constant 128 : i32
        %div3A_359 = arith.divsi %add3A_357, %jit3A_358 : i32
        %sign3A_360 = arith.constant 0 : i32
        %sign3A_361 = arith.cmpi sgt, %add3A_357, %sign3A_360 : i32
        %sign3A_362 = arith.extui %sign3A_361 : i1 to i32
        %sign3A_363 = arith.constant 0 : i32
        %sign3A_364 = arith.cmpi slt, %add3A_357, %sign3A_363 : i32
        %sign3A_365 = arith.extui %sign3A_364 : i1 to i32
        %sign3A_366 = arith.subi %sign3A_362, %sign3A_365 : i32
        %sign3A_367 = arith.constant 0 : i32
        %sign3A_368 = arith.cmpi sgt, %jit3A_358, %sign3A_367 : i32
        %sign3A_369 = arith.extui %sign3A_368 : i1 to i32
        %sign3A_370 = arith.constant 0 : i32
        %sign3A_371 = arith.cmpi slt, %jit3A_358, %sign3A_370 : i32
        %sign3A_372 = arith.extui %sign3A_371 : i1 to i32
        %sign3A_373 = arith.subi %sign3A_369, %sign3A_372 : i32
        %ne3A_374 = arith.cmpi ne, %sign3A_366, %sign3A_373 : i32
        %rem3A_375 = arith.remsi %add3A_357, %jit3A_358 : i32
        %ne3A_376 = arith.constant 0 : i32
        %ne3A_377 = arith.cmpi ne, %rem3A_375, %ne3A_376 : i32
        %and3A_378 = arith.andi %ne3A_374, %ne3A_377 : i1
        %sub3A_379 = arith.constant 1 : i32
        %sub3A_380 = arith.subi %div3A_359, %sub3A_379 : i32
        %select_n3A_381 = arith.select %and3A_378, %sub3A_380, %div3A_359 : i32
        %rem3A_382 = arith.constant 128 : i32
        %rem3A_383 = arith.remsi %add3A_357, %rem3A_382 : i32
        %dma_wait3A_384 = arith.constant 0 : i32
        %dma_wait3A_385 = arith.constant 0 : i32
        %dma_wait3A_386 = arith.constant 0 : i32
        %dma_wait3A_387 = arith.constant 0 : i32
        %dma_wait3A_388 = arith.constant 0 : i32
        %dma_wait3A_389 = tpu.memref_slice %arg7[%dma_wait3A_384, %dma_wait3A_386, %dma_wait3A_387, %dma_wait3A_388] : memref<2x8x8x129xf32, #tpu.memory_space<vmem>> -> memref<1x8x8x128xf32, #tpu.memory_space<vmem>>
        %dma_wait3A_390 = tpu.memref_squeeze %dma_wait3A_389 : memref<1x8x8x128xf32, #tpu.memory_space<vmem>> -> memref<8x8x128xf32, #tpu.memory_space<vmem>>
        %dma_wait3A_391 = arith.constant 0 : i32
        %dma_wait3A_392 = arith.constant 0 : i32
        %dma_wait3A_393 = arith.constant 0 : i32
        %dma_wait3A_394 = tpu.memref_slice %arg4[%select_n3A_381, %dma_wait3A_391, %rem3A_383, %dma_wait3A_392, %dma_wait3A_393] : memref<50x8x128x8x128xf32, #tpu.memory_space<hbm>> -> memref<1x8x1x8x128xf32, #tpu.memory_space<hbm>>
        %dma_wait3A_395 = tpu.memref_squeeze %dma_wait3A_394 : memref<1x8x1x8x128xf32, #tpu.memory_space<hbm>> -> memref<8x8x128xf32, #tpu.memory_space<hbm>>
        %dma_wait3A_396 = tpu.memref_slice %arg9[%dma_wait3A_385] : memref<2x!tpu.dma_semaphore, #tpu.memory_space<semaphore_mem>> -> memref<1x!tpu.dma_semaphore, #tpu.memory_space<semaphore_mem>>
        %dma_wait3A_397 = tpu.memref_squeeze %dma_wait3A_396 : memref<1x!tpu.dma_semaphore, #tpu.memory_space<semaphore_mem>> -> memref<!tpu.dma_semaphore, #tpu.memory_space<semaphore_mem>>
        %dma_wait3A_398 = arith.constant 0 : i32
        %dma_wait3A_399 = arith.constant 0 : i32
        %dma_wait3A_400 = arith.constant 0 : i32
        %dma_wait3A_401 = tpu.memref_slice %arg4[%select_n3A_381, %dma_wait3A_398, %rem3A_383, %dma_wait3A_399, %dma_wait3A_400] : memref<50x8x128x8x128xf32, #tpu.memory_space<hbm>> -> memref<1x8x1x8x128xf32, #tpu.memory_space<hbm>>
        %dma_wait3A_402 = tpu.memref_squeeze %dma_wait3A_401 : memref<1x8x1x8x128xf32, #tpu.memory_space<hbm>> -> memref<8x8x128xf32, #tpu.memory_space<hbm>>
        %dma_wait3A_403 = arith.constant 0 : i32
        %dma_wait3A_404 = arith.constant 0 : i32
        %dma_wait3A_405 = arith.constant 0 : i32
        %dma_wait3A_406 = tpu.memref_slice %arg7[%dma_wait3A_384, %dma_wait3A_403, %dma_wait3A_404, %dma_wait3A_405] : memref<2x8x8x129xf32, #tpu.memory_space<vmem>> -> memref<1x8x8x128xf32, #tpu.memory_space<vmem>>
        %dma_wait3A_407 = tpu.memref_squeeze %dma_wait3A_406 : memref<1x8x8x128xf32, #tpu.memory_space<vmem>> -> memref<8x8x128xf32, #tpu.memory_space<vmem>>
        tpu.wait_dma2 semaphore(%dma_wait3A_397 : memref<!tpu.dma_semaphore, #tpu.memory_space<semaphore_mem>>) src(%dma_wait3A_407 : memref<8x8x128xf32, #tpu.memory_space<vmem>>) dst(%dma_wait3A_402 : memref<8x8x128xf32, #tpu.memory_space<hbm>>)
      } else {
      }
      %scan3A_203 = arith.constant 0 : i32
      %scan3A_204 = arith.constant 32 : i32
      %scan3A_205 = arith.addi %scan3A_203, %scan3A_204 : i32
      %scan3A_206 = arith.constant 1 : i32
      scf.for %scan3A_353 = %scan3A_203 to %scan3A_205 step %scan3A_206  : i32 {
        %mul3A_354 = arith.constant 4 : i32
        %mul3A_355 = arith.muli %scan3A_353, %mul3A_354 : i32
        %add3A_356 = arith.constant 0 : i32
        %add3A_357 = arith.addi %add3A_356, %mul3A_355 : i32
        %add3A_358 = arith.constant 0 : i32
        %add3A_359 = arith.addi %add3A_357, %add3A_358 : i32
        %broadcast_in_dim3A = vector.broadcast %add3A_359 : i32 to vector<16xi32>
        %get3A = arith.constant 0 : i32
        %get3A_360 = arith.index_cast %get3A : i32 to index
        %get3A_361 = arith.index_cast %add3A_359 : i32 to index
        %get3A_362 = arith.constant 0 : index
        %get3A_363 = tpu.vector_load %arg6[%get3A_360, %get3A_361, %get3A_362] {strides = array<i32>} : memref<2x128x64xf32, #tpu.memory_space<vmem>>, vector<16xf32>,
        %mul3A_364 = arith.constant 8.000000e+00 : f32
        %mul3A_365 = vector.broadcast %mul3A_364 : f32 to vector<16xf32>
        %mul3A_366 = arith.mulf %get3A_363, %mul3A_365 : vector<16xf32>
        %scatter3A = arith.constant 0 : i32
        %scatter3A_367 = arith.constant 0 : i32
        %scatter3A_368 = arith.constant 0 : i32
        %scatter3A_369 = arith.constant 0 : i32
        %scatter3A_370 = tpu.memref_slice %arg7[%scatter3A, %scatter3A_367, %scatter3A_368, %scatter3A_369] : memref<2x8x8x129xf32, #tpu.memory_space<vmem>> -> memref<1x8x8x129xf32, #tpu.memory_space<vmem>>
        %scatter3A_371 = tpu.memref_squeeze %scatter3A_370 : memref<1x8x8x129xf32, #tpu.memory_space<vmem>> -> memref<8x8x129xf32, #tpu.memory_space<vmem>>
        tpu.vector_store_idx %scatter3A_371[%shift_right_arithmetic3A_5, %and3A_28, %broadcast_in_dim3A], %mul3A_366 : memref<8x8x129xf32, #tpu.memory_space<vmem>>[vector<16xi32>, vector<16xi32>, vector<16xi32>], vector<16xf32>,
        %get3A_372 = arith.constant 0 : i32
        %get3A_373 = arith.index_cast %get3A_372 : i32 to index
        %get3A_374 = arith.index_cast %add3A_359 : i32 to index
        %get3A_375 = arith.constant 16 : index
        %get3A_376 = tpu.vector_load %arg6[%get3A_373, %get3A_374, %get3A_375] {strides = array<i32>} : memref<2x128x64xf32, #tpu.memory_space<vmem>>, vector<16xf32>,
        %mul3A_377 = arith.constant 8.000000e+00 : f32
        %mul3A_378 = vector.broadcast %mul3A_377 : f32 to vector<16xf32>
        %mul3A_379 = arith.mulf %get3A_376, %mul3A_378 : vector<16xf32>
        %scatter3A_380 = arith.constant 0 : i32
        %scatter3A_381 = arith.constant 0 : i32
        %scatter3A_382 = arith.constant 0 : i32
        %scatter3A_383 = arith.constant 0 : i32
        %scatter3A_384 = tpu.memref_slice %arg7[%scatter3A_380, %scatter3A_381, %scatter3A_382, %scatter3A_383] : memref<2x8x8x129xf32, #tpu.memory_space<vmem>> -> memref<1x8x8x129xf32, #tpu.memory_space<vmem>>
        %scatter3A_385 = tpu.memref_squeeze %scatter3A_384 : memref<1x8x8x129xf32, #tpu.memory_space<vmem>> -> memref<8x8x129xf32, #tpu.memory_space<vmem>>
        tpu.vector_store_idx %scatter3A_385[%shift_right_arithmetic3A_11, %and3A_34, %broadcast_in_dim3A], %mul3A_379 : memref<8x8x129xf32, #tpu.memory_space<vmem>>[vector<16xi32>, vector<16xi32>, vector<16xi32>], vector<16xf32>,
        %get3A_386 = arith.constant 0 : i32
        %get3A_387 = arith.index_cast %get3A_386 : i32 to index
        %get3A_388 = arith.index_cast %add3A_359 : i32 to index
        %get3A_389 = arith.constant 32 : index
        %get3A_390 = tpu.vector_load %arg6[%get3A_387, %get3A_388, %get3A_389] {strides = array<i32>} : memref<2x128x64xf32, #tpu.memory_space<vmem>>, vector<16xf32>,
        %mul3A_391 = arith.constant 8.000000e+00 : f32
        %mul3A_392 = vector.broadcast %mul3A_391 : f32 to vector<16xf32>
        %mul3A_393 = arith.mulf %get3A_390, %mul3A_392 : vector<16xf32>
        %scatter3A_394 = arith.constant 0 : i32
        %scatter3A_395 = arith.constant 0 : i32
        %scatter3A_396 = arith.constant 0 : i32
        %scatter3A_397 = arith.constant 0 : i32
        %scatter3A_398 = tpu.memref_slice %arg7[%scatter3A_394, %scatter3A_395, %scatter3A_396, %scatter3A_397] : memref<2x8x8x129xf32, #tpu.memory_space<vmem>> -> memref<1x8x8x129xf32, #tpu.memory_space<vmem>>
        %scatter3A_399 = tpu.memref_squeeze %scatter3A_398 : memref<1x8x8x129xf32, #tpu.memory_space<vmem>> -> memref<8x8x129xf32, #tpu.memory_space<vmem>>
        tpu.vector_store_idx %scatter3A_399[%shift_right_arithmetic3A_17, %and3A_40, %broadcast_in_dim3A], %mul3A_393 : memref<8x8x129xf32, #tpu.memory_space<vmem>>[vector<16xi32>, vector<16xi32>, vector<16xi32>], vector<16xf32>,
        %get3A_400 = arith.constant 0 : i32
        %get3A_401 = arith.index_cast %get3A_400 : i32 to index
        %get3A_402 = arith.index_cast %add3A_359 : i32 to index
        %get3A_403 = arith.constant 48 : index
        %get3A_404 = tpu.vector_load %arg6[%get3A_401, %get3A_402, %get3A_403] {strides = array<i32>} : memref<2x128x64xf32, #tpu.memory_space<vmem>>, vector<16xf32>,
        %mul3A_405 = arith.constant 8.000000e+00 : f32
        %mul3A_406 = vector.broadcast %mul3A_405 : f32 to vector<16xf32>
        %mul3A_407 = arith.mulf %get3A_404, %mul3A_406 : vector<16xf32>
        %scatter3A_408 = arith.constant 0 : i32
        %scatter3A_409 = arith.constant 0 : i32
        %scatter3A_410 = arith.constant 0 : i32
        %scatter3A_411 = arith.constant 0 : i32
        %scatter3A_412 = tpu.memref_slice %arg7[%scatter3A_408, %scatter3A_409, %scatter3A_410, %scatter3A_411] : memref<2x8x8x129xf32, #tpu.memory_space<vmem>> -> memref<1x8x8x129xf32, #tpu.memory_space<vmem>>
        %scatter3A_413 = tpu.memref_squeeze %scatter3A_412 : memref<1x8x8x129xf32, #tpu.memory_space<vmem>> -> memref<8x8x129xf32, #tpu.memory_space<vmem>>
        tpu.vector_store_idx %scatter3A_413[%shift_right_arithmetic3A_23, %and3A_46, %broadcast_in_dim3A], %mul3A_407 : memref<8x8x129xf32, #tpu.memory_space<vmem>>[vector<16xi32>, vector<16xi32>, vector<16xi32>], vector<16xf32>,
        %add3A_414 = arith.constant 1 : i32
        %add3A_415 = arith.addi %add3A_357, %add3A_414 : i32
        %broadcast_in_dim3A_416 = vector.broadcast %add3A_415 : i32 to vector<16xi32>
        %get3A_417 = arith.constant 0 : i32
        %get3A_418 = arith.index_cast %get3A_417 : i32 to index
        %get3A_419 = arith.index_cast %add3A_415 : i32 to index
        %get3A_420 = arith.constant 0 : index
        %get3A_421 = tpu.vector_load %arg6[%get3A_418, %get3A_419, %get3A_420] {strides = array<i32>} : memref<2x128x64xf32, #tpu.memory_space<vmem>>, vector<16xf32>,
        %mul3A_422 = arith.constant 8.000000e+00 : f32
        %mul3A_423 = vector.broadcast %mul3A_422 : f32 to vector<16xf32>
        %mul3A_424 = arith.mulf %get3A_421, %mul3A_423 : vector<16xf32>
        %scatter3A_425 = arith.constant 0 : i32
        %scatter3A_426 = arith.constant 0 : i32
        %scatter3A_427 = arith.constant 0 : i32
        %scatter3A_428 = arith.constant 0 : i32
        %scatter3A_429 = tpu.memref_slice %arg7[%scatter3A_425, %scatter3A_426, %scatter3A_427, %scatter3A_428] : memref<2x8x8x129xf32, #tpu.memory_space<vmem>> -> memref<1x8x8x129xf32, #tpu.memory_space<vmem>>
        %scatter3A_430 = tpu.memref_squeeze %scatter3A_429 : memref<1x8x8x129xf32, #tpu.memory_space<vmem>> -> memref<8x8x129xf32, #tpu.memory_space<vmem>>
        tpu.vector_store_idx %scatter3A_430[%shift_right_arithmetic3A_5, %and3A_28, %broadcast_in_dim3A_416], %mul3A_424 : memref<8x8x129xf32, #tpu.memory_space<vmem>>[vector<16xi32>, vector<16xi32>, vector<16xi32>], vector<16xf32>,
        %get3A_431 = arith.constant 0 : i32
        %get3A_432 = arith.index_cast %get3A_431 : i32 to index
        %get3A_433 = arith.index_cast %add3A_415 : i32 to index
        %get3A_434 = arith.constant 16 : index
        %get3A_435 = tpu.vector_load %arg6[%get3A_432, %get3A_433, %get3A_434] {strides = array<i32>} : memref<2x128x64xf32, #tpu.memory_space<vmem>>, vector<16xf32>,
        %mul3A_436 = arith.constant 8.000000e+00 : f32
        %mul3A_437 = vector.broadcast %mul3A_436 : f32 to vector<16xf32>
        %mul3A_438 = arith.mulf %get3A_435, %mul3A_437 : vector<16xf32>
        %scatter3A_439 = arith.constant 0 : i32
        %scatter3A_440 = arith.constant 0 : i32
        %scatter3A_441 = arith.constant 0 : i32
        %scatter3A_442 = arith.constant 0 : i32
        %scatter3A_443 = tpu.memref_slice %arg7[%scatter3A_439, %scatter3A_440, %scatter3A_441, %scatter3A_442] : memref<2x8x8x129xf32, #tpu.memory_space<vmem>> -> memref<1x8x8x129xf32, #tpu.memory_space<vmem>>
        %scatter3A_444 = tpu.memref_squeeze %scatter3A_443 : memref<1x8x8x129xf32, #tpu.memory_space<vmem>> -> memref<8x8x129xf32, #tpu.memory_space<vmem>>
        tpu.vector_store_idx %scatter3A_444[%shift_right_arithmetic3A_11, %and3A_34, %broadcast_in_dim3A_416], %mul3A_438 : memref<8x8x129xf32, #tpu.memory_space<vmem>>[vector<16xi32>, vector<16xi32>, vector<16xi32>], vector<16xf32>,
        %get3A_445 = arith.constant 0 : i32
        %get3A_446 = arith.index_cast %get3A_445 : i32 to index
        %get3A_447 = arith.index_cast %add3A_415 : i32 to index
        %get3A_448 = arith.constant 32 : index
        %get3A_449 = tpu.vector_load %arg6[%get3A_446, %get3A_447, %get3A_448] {strides = array<i32>} : memref<2x128x64xf32, #tpu.memory_space<vmem>>, vector<16xf32>,
        %mul3A_450 = arith.constant 8.000000e+00 : f32
        %mul3A_451 = vector.broadcast %mul3A_450 : f32 to vector<16xf32>
        %mul3A_452 = arith.mulf %get3A_449, %mul3A_451 : vector<16xf32>
        %scatter3A_453 = arith.constant 0 : i32
        %scatter3A_454 = arith.constant 0 : i32
        %scatter3A_455 = arith.constant 0 : i32
        %scatter3A_456 = arith.constant 0 : i32
        %scatter3A_457 = tpu.memref_slice %arg7[%scatter3A_453, %scatter3A_454, %scatter3A_455, %scatter3A_456] : memref<2x8x8x129xf32, #tpu.memory_space<vmem>> -> memref<1x8x8x129xf32, #tpu.memory_space<vmem>>
        %scatter3A_458 = tpu.memref_squeeze %scatter3A_457 : memref<1x8x8x129xf32, #tpu.memory_space<vmem>> -> memref<8x8x129xf32, #tpu.memory_space<vmem>>
        tpu.vector_store_idx %scatter3A_458[%shift_right_arithmetic3A_17, %and3A_40, %broadcast_in_dim3A_416], %mul3A_452 : memref<8x8x129xf32, #tpu.memory_space<vmem>>[vector<16xi32>, vector<16xi32>, vector<16xi32>], vector<16xf32>,
        %get3A_459 = arith.constant 0 : i32
        %get3A_460 = arith.index_cast %get3A_459 : i32 to index
        %get3A_461 = arith.index_cast %add3A_415 : i32 to index
        %get3A_462 = arith.constant 48 : index
        %get3A_463 = tpu.vector_load %arg6[%get3A_460, %get3A_461, %get3A_462] {strides = array<i32>} : memref<2x128x64xf32, #tpu.memory_space<vmem>>, vector<16xf32>,
        %mul3A_464 = arith.constant 8.000000e+00 : f32
        %mul3A_465 = vector.broadcast %mul3A_464 : f32 to vector<16xf32>
        %mul3A_466 = arith.mulf %get3A_463, %mul3A_465 : vector<16xf32>
        %scatter3A_467 = arith.constant 0 : i32
        %scatter3A_468 = arith.constant 0 : i32
        %scatter3A_469 = arith.constant 0 : i32
        %scatter3A_470 = arith.constant 0 : i32
        %scatter3A_471 = tpu.memref_slice %arg7[%scatter3A_467, %scatter3A_468, %scatter3A_469, %scatter3A_470] : memref<2x8x8x129xf32, #tpu.memory_space<vmem>> -> memref<1x8x8x129xf32, #tpu.memory_space<vmem>>
        %scatter3A_472 = tpu.memref_squeeze %scatter3A_471 : memref<1x8x8x129xf32, #tpu.memory_space<vmem>> -> memref<8x8x129xf32, #tpu.memory_space<vmem>>
        tpu.vector_store_idx %scatter3A_472[%shift_right_arithmetic3A_23, %and3A_46, %broadcast_in_dim3A_416], %mul3A_466 : memref<8x8x129xf32, #tpu.memory_space<vmem>>[vector<16xi32>, vector<16xi32>, vector<16xi32>], vector<16xf32>,
        %add3A_473 = arith.constant 2 : i32
        %add3A_474 = arith.addi %add3A_357, %add3A_473 : i32
        %broadcast_in_dim3A_475 = vector.broadcast %add3A_474 : i32 to vector<16xi32>
        %get3A_476 = arith.constant 0 : i32
        %get3A_477 = arith.index_cast %get3A_476 : i32 to index
        %get3A_478 = arith.index_cast %add3A_474 : i32 to index
        %get3A_479 = arith.constant 0 : index
        %get3A_480 = tpu.vector_load %arg6[%get3A_477, %get3A_478, %get3A_479] {strides = array<i32>} : memref<2x128x64xf32, #tpu.memory_space<vmem>>, vector<16xf32>,
        %mul3A_481 = arith.constant 8.000000e+00 : f32
        %mul3A_482 = vector.broadcast %mul3A_481 : f32 to vector<16xf32>
        %mul3A_483 = arith.mulf %get3A_480, %mul3A_482 : vector<16xf32>
        %scatter3A_484 = arith.constant 0 : i32
        %scatter3A_485 = arith.constant 0 : i32
        %scatter3A_486 = arith.constant 0 : i32
        %scatter3A_487 = arith.constant 0 : i32
        %scatter3A_488 = tpu.memref_slice %arg7[%scatter3A_484, %scatter3A_485, %scatter3A_486, %scatter3A_487] : memref<2x8x8x129xf32, #tpu.memory_space<vmem>> -> memref<1x8x8x129xf32, #tpu.memory_space<vmem>>
        %scatter3A_489 = tpu.memref_squeeze %scatter3A_488 : memref<1x8x8x129xf32, #tpu.memory_space<vmem>> -> memref<8x8x129xf32, #tpu.memory_space<vmem>>
        tpu.vector_store_idx %scatter3A_489[%shift_right_arithmetic3A_5, %and3A_28, %broadcast_in_dim3A_475], %mul3A_483 : memref<8x8x129xf32, #tpu.memory_space<vmem>>[vector<16xi32>, vector<16xi32>, vector<16xi32>], vector<16xf32>,
        %get3A_490 = arith.constant 0 : i32
        %get3A_491 = arith.index_cast %get3A_490 : i32 to index
        %get3A_492 = arith.index_cast %add3A_474 : i32 to index
        %get3A_493 = arith.constant 16 : index
        %get3A_494 = tpu.vector_load %arg6[%get3A_491, %get3A_492, %get3A_493] {strides = array<i32>} : memref<2x128x64xf32, #tpu.memory_space<vmem>>, vector<16xf32>,
        %mul3A_495 = arith.constant 8.000000e+00 : f32
        %mul3A_496 = vector.broadcast %mul3A_495 : f32 to vector<16xf32>
        %mul3A_497 = arith.mulf %get3A_494, %mul3A_496 : vector<16xf32>
        %scatter3A_498 = arith.constant 0 : i32
        %scatter3A_499 = arith.constant 0 : i32
        %scatter3A_500 = arith.constant 0 : i32
        %scatter3A_501 = arith.constant 0 : i32
        %scatter3A_502 = tpu.memref_slice %arg7[%scatter3A_498, %scatter3A_499, %scatter3A_500, %scatter3A_501] : memref<2x8x8x129xf32, #tpu.memory_space<vmem>> -> memref<1x8x8x129xf32, #tpu.memory_space<vmem>>
        %scatter3A_503 = tpu.memref_squeeze %scatter3A_502 : memref<1x8x8x129xf32, #tpu.memory_space<vmem>> -> memref<8x8x129xf32, #tpu.memory_space<vmem>>
        tpu.vector_store_idx %scatter3A_503[%shift_right_arithmetic3A_11, %and3A_34, %broadcast_in_dim3A_475], %mul3A_497 : memref<8x8x129xf32, #tpu.memory_space<vmem>>[vector<16xi32>, vector<16xi32>, vector<16xi32>], vector<16xf32>,
        %get3A_504 = arith.constant 0 : i32
        %get3A_505 = arith.index_cast %get3A_504 : i32 to index
        %get3A_506 = arith.index_cast %add3A_474 : i32 to index
        %get3A_507 = arith.constant 32 : index
        %get3A_508 = tpu.vector_load %arg6[%get3A_505, %get3A_506, %get3A_507] {strides = array<i32>} : memref<2x128x64xf32, #tpu.memory_space<vmem>>, vector<16xf32>,
        %mul3A_509 = arith.constant 8.000000e+00 : f32
        %mul3A_510 = vector.broadcast %mul3A_509 : f32 to vector<16xf32>
        %mul3A_511 = arith.mulf %get3A_508, %mul3A_510 : vector<16xf32>
        %scatter3A_512 = arith.constant 0 : i32
        %scatter3A_513 = arith.constant 0 : i32
        %scatter3A_514 = arith.constant 0 : i32
        %scatter3A_515 = arith.constant 0 : i32
        %scatter3A_516 = tpu.memref_slice %arg7[%scatter3A_512, %scatter3A_513, %scatter3A_514, %scatter3A_515] : memref<2x8x8x129xf32, #tpu.memory_space<vmem>> -> memref<1x8x8x129xf32, #tpu.memory_space<vmem>>
        %scatter3A_517 = tpu.memref_squeeze %scatter3A_516 : memref<1x8x8x129xf32, #tpu.memory_space<vmem>> -> memref<8x8x129xf32, #tpu.memory_space<vmem>>
        tpu.vector_store_idx %scatter3A_517[%shift_right_arithmetic3A_17, %and3A_40, %broadcast_in_dim3A_475], %mul3A_511 : memref<8x8x129xf32, #tpu.memory_space<vmem>>[vector<16xi32>, vector<16xi32>, vector<16xi32>], vector<16xf32>,
        %get3A_518 = arith.constant 0 : i32
        %get3A_519 = arith.index_cast %get3A_518 : i32 to index
        %get3A_520 = arith.index_cast %add3A_474 : i32 to index
        %get3A_521 = arith.constant 48 : index
        %get3A_522 = tpu.vector_load %arg6[%get3A_519, %get3A_520, %get3A_521] {strides = array<i32>} : memref<2x128x64xf32, #tpu.memory_space<vmem>>, vector<16xf32>,
        %mul3A_523 = arith.constant 8.000000e+00 : f32
        %mul3A_524 = vector.broadcast %mul3A_523 : f32 to vector<16xf32>
        %mul3A_525 = arith.mulf %get3A_522, %mul3A_524 : vector<16xf32>
        %scatter3A_526 = arith.constant 0 : i32
        %scatter3A_527 = arith.constant 0 : i32
        %scatter3A_528 = arith.constant 0 : i32
        %scatter3A_529 = arith.constant 0 : i32
        %scatter3A_530 = tpu.memref_slice %arg7[%scatter3A_526, %scatter3A_527, %scatter3A_528, %scatter3A_529] : memref<2x8x8x129xf32, #tpu.memory_space<vmem>> -> memref<1x8x8x129xf32, #tpu.memory_space<vmem>>
        %scatter3A_531 = tpu.memref_squeeze %scatter3A_530 : memref<1x8x8x129xf32, #tpu.memory_space<vmem>> -> memref<8x8x129xf32, #tpu.memory_space<vmem>>
        tpu.vector_store_idx %scatter3A_531[%shift_right_arithmetic3A_23, %and3A_46, %broadcast_in_dim3A_475], %mul3A_525 : memref<8x8x129xf32, #tpu.memory_space<vmem>>[vector<16xi32>, vector<16xi32>, vector<16xi32>], vector<16xf32>,
        %add3A_532 = arith.constant 3 : i32
        %add3A_533 = arith.addi %add3A_357, %add3A_532 : i32
        %broadcast_in_dim3A_534 = vector.broadcast %add3A_533 : i32 to vector<16xi32>
        %get3A_535 = arith.constant 0 : i32
        %get3A_536 = arith.index_cast %get3A_535 : i32 to index
        %get3A_537 = arith.index_cast %add3A_533 : i32 to index
        %get3A_538 = arith.constant 0 : index
        %get3A_539 = tpu.vector_load %arg6[%get3A_536, %get3A_537, %get3A_538] {strides = array<i32>} : memref<2x128x64xf32, #tpu.memory_space<vmem>>, vector<16xf32>,
        %mul3A_540 = arith.constant 8.000000e+00 : f32
        %mul3A_541 = vector.broadcast %mul3A_540 : f32 to vector<16xf32>
        %mul3A_542 = arith.mulf %get3A_539, %mul3A_541 : vector<16xf32>
        %scatter3A_543 = arith.constant 0 : i32
        %scatter3A_544 = arith.constant 0 : i32
        %scatter3A_545 = arith.constant 0 : i32
        %scatter3A_546 = arith.constant 0 : i32
        %scatter3A_547 = tpu.memref_slice %arg7[%scatter3A_543, %scatter3A_544, %scatter3A_545, %scatter3A_546] : memref<2x8x8x129xf32, #tpu.memory_space<vmem>> -> memref<1x8x8x129xf32, #tpu.memory_space<vmem>>
        %scatter3A_548 = tpu.memref_squeeze %scatter3A_547 : memref<1x8x8x129xf32, #tpu.memory_space<vmem>> -> memref<8x8x129xf32, #tpu.memory_space<vmem>>
        tpu.vector_store_idx %scatter3A_548[%shift_right_arithmetic3A_5, %and3A_28, %broadcast_in_dim3A_534], %mul3A_542 : memref<8x8x129xf32, #tpu.memory_space<vmem>>[vector<16xi32>, vector<16xi32>, vector<16xi32>], vector<16xf32>,
        %get3A_549 = arith.constant 0 : i32
        %get3A_550 = arith.index_cast %get3A_549 : i32 to index
        %get3A_551 = arith.index_cast %add3A_533 : i32 to index
        %get3A_552 = arith.constant 16 : index
        %get3A_553 = tpu.vector_load %arg6[%get3A_550, %get3A_551, %get3A_552] {strides = array<i32>} : memref<2x128x64xf32, #tpu.memory_space<vmem>>, vector<16xf32>,
        %mul3A_554 = arith.constant 8.000000e+00 : f32
        %mul3A_555 = vector.broadcast %mul3A_554 : f32 to vector<16xf32>
        %mul3A_556 = arith.mulf %get3A_553, %mul3A_555 : vector<16xf32>
        %scatter3A_557 = arith.constant 0 : i32
        %scatter3A_558 = arith.constant 0 : i32
        %scatter3A_559 = arith.constant 0 : i32
        %scatter3A_560 = arith.constant 0 : i32
        %scatter3A_561 = tpu.memref_slice %arg7[%scatter3A_557, %scatter3A_558, %scatter3A_559, %scatter3A_560] : memref<2x8x8x129xf32, #tpu.memory_space<vmem>> -> memref<1x8x8x129xf32, #tpu.memory_space<vmem>>
        %scatter3A_562 = tpu.memref_squeeze %scatter3A_561 : memref<1x8x8x129xf32, #tpu.memory_space<vmem>> -> memref<8x8x129xf32, #tpu.memory_space<vmem>>
        tpu.vector_store_idx %scatter3A_562[%shift_right_arithmetic3A_11, %and3A_34, %broadcast_in_dim3A_534], %mul3A_556 : memref<8x8x129xf32, #tpu.memory_space<vmem>>[vector<16xi32>, vector<16xi32>, vector<16xi32>], vector<16xf32>,
        %get3A_563 = arith.constant 0 : i32
        %get3A_564 = arith.index_cast %get3A_563 : i32 to index
        %get3A_565 = arith.index_cast %add3A_533 : i32 to index
        %get3A_566 = arith.constant 32 : index
        %get3A_567 = tpu.vector_load %arg6[%get3A_564, %get3A_565, %get3A_566] {strides = array<i32>} : memref<2x128x64xf32, #tpu.memory_space<vmem>>, vector<16xf32>,
        %mul3A_568 = arith.constant 8.000000e+00 : f32
        %mul3A_569 = vector.broadcast %mul3A_568 : f32 to vector<16xf32>
        %mul3A_570 = arith.mulf %get3A_567, %mul3A_569 : vector<16xf32>
        %scatter3A_571 = arith.constant 0 : i32
        %scatter3A_572 = arith.constant 0 : i32
        %scatter3A_573 = arith.constant 0 : i32
        %scatter3A_574 = arith.constant 0 : i32
        %scatter3A_575 = tpu.memref_slice %arg7[%scatter3A_571, %scatter3A_572, %scatter3A_573, %scatter3A_574] : memref<2x8x8x129xf32, #tpu.memory_space<vmem>> -> memref<1x8x8x129xf32, #tpu.memory_space<vmem>>
        %scatter3A_576 = tpu.memref_squeeze %scatter3A_575 : memref<1x8x8x129xf32, #tpu.memory_space<vmem>> -> memref<8x8x129xf32, #tpu.memory_space<vmem>>
        tpu.vector_store_idx %scatter3A_576[%shift_right_arithmetic3A_17, %and3A_40, %broadcast_in_dim3A_534], %mul3A_570 : memref<8x8x129xf32, #tpu.memory_space<vmem>>[vector<16xi32>, vector<16xi32>, vector<16xi32>], vector<16xf32>,
        %get3A_577 = arith.constant 0 : i32
        %get3A_578 = arith.index_cast %get3A_577 : i32 to index
        %get3A_579 = arith.index_cast %add3A_533 : i32 to index
        %get3A_580 = arith.constant 48 : index
        %get3A_581 = tpu.vector_load %arg6[%get3A_578, %get3A_579, %get3A_580] {strides = array<i32>} : memref<2x128x64xf32, #tpu.memory_space<vmem>>, vector<16xf32>,
        %mul3A_582 = arith.constant 8.000000e+00 : f32
        %mul3A_583 = vector.broadcast %mul3A_582 : f32 to vector<16xf32>
        %mul3A_584 = arith.mulf %get3A_581, %mul3A_583 : vector<16xf32>
        %scatter3A_585 = arith.constant 0 : i32
        %scatter3A_586 = arith.constant 0 : i32
        %scatter3A_587 = arith.constant 0 : i32
        %scatter3A_588 = arith.constant 0 : i32
        %scatter3A_589 = tpu.memref_slice %arg7[%scatter3A_585, %scatter3A_586, %scatter3A_587, %scatter3A_588] : memref<2x8x8x129xf32, #tpu.memory_space<vmem>> -> memref<1x8x8x129xf32, #tpu.memory_space<vmem>>
        %scatter3A_590 = tpu.memref_squeeze %scatter3A_589 : memref<1x8x8x129xf32, #tpu.memory_space<vmem>> -> memref<8x8x129xf32, #tpu.memory_space<vmem>>
        tpu.vector_store_idx %scatter3A_590[%shift_right_arithmetic3A_23, %and3A_46, %broadcast_in_dim3A_534], %mul3A_584 : memref<8x8x129xf32, #tpu.memory_space<vmem>>[vector<16xi32>, vector<16xi32>, vector<16xi32>], vector<16xf32>,
      }
      %scan3A_207 = arith.constant 32 : i32
      %mul3A_208 = arith.constant 200 : i32
      %mul3A_209 = arith.muli %add3A, %mul3A_208 : i32
      %add3A_210 = arith.addi %mul3A_209, %add3A_186 : i32
      %jit3A_211 = arith.constant 128 : i32
      %div3A_212 = arith.divsi %add3A_210, %jit3A_211 : i32
      %sign3A_213 = arith.constant 0 : i32
      %sign3A_214 = arith.cmpi sgt, %add3A_210, %sign3A_213 : i32
      %sign3A_215 = arith.extui %sign3A_214 : i1 to i32
      %sign3A_216 = arith.constant 0 : i32
      %sign3A_217 = arith.cmpi slt, %add3A_210, %sign3A_216 : i32
      %sign3A_218 = arith.extui %sign3A_217 : i1 to i32
      %sign3A_219 = arith.subi %sign3A_215, %sign3A_218 : i32
      %sign3A_220 = arith.constant 0 : i32
      %sign3A_221 = arith.cmpi sgt, %jit3A_211, %sign3A_220 : i32
      %sign3A_222 = arith.extui %sign3A_221 : i1 to i32
      %sign3A_223 = arith.constant 0 : i32
      %sign3A_224 = arith.cmpi slt, %jit3A_211, %sign3A_223 : i32
      %sign3A_225 = arith.extui %sign3A_224 : i1 to i32
      %sign3A_226 = arith.subi %sign3A_222, %sign3A_225 : i32
      %ne3A_227 = arith.cmpi ne, %sign3A_219, %sign3A_226 : i32
      %rem3A_228 = arith.remsi %add3A_210, %jit3A_211 : i32
      %ne3A_229 = arith.constant 0 : i32
      %ne3A_230 = arith.cmpi ne, %rem3A_228, %ne3A_229 : i32
      %and3A_231 = arith.andi %ne3A_227, %ne3A_230 : i1
      %sub3A_232 = arith.constant 1 : i32
      %sub3A_233 = arith.subi %div3A_212, %sub3A_232 : i32
      %select_n3A_234 = arith.select %and3A_231, %sub3A_233, %div3A_212 : i32
      %rem3A_235 = arith.constant 128 : i32
      %rem3A_236 = arith.remsi %add3A_210, %rem3A_235 : i32
      %dma_start3A_237 = arith.constant 0 : i32
      %dma_start3A_238 = arith.constant 0 : i32
      %dma_start3A_239 = arith.constant 0 : i32
      %dma_start3A_240 = arith.constant 0 : i32
      %dma_start3A_241 = arith.constant 0 : i32
      %dma_start3A_242 = tpu.memref_slice %arg7[%dma_start3A_237, %dma_start3A_239, %dma_start3A_240, %dma_start3A_241] : memref<2x8x8x129xf32, #tpu.memory_space<vmem>> -> memref<1x8x8x128xf32, #tpu.memory_space<vmem>>
      %dma_start3A_243 = tpu.memref_squeeze %dma_start3A_242 : memref<1x8x8x128xf32, #tpu.memory_space<vmem>> -> memref<8x8x128xf32, #tpu.memory_space<vmem>>
      %dma_start3A_244 = arith.constant 0 : i32
      %dma_start3A_245 = arith.constant 0 : i32
      %dma_start3A_246 = arith.constant 0 : i32
      %dma_start3A_247 = tpu.memref_slice %arg4[%select_n3A_234, %dma_start3A_244, %rem3A_236, %dma_start3A_245, %dma_start3A_246] : memref<50x8x128x8x128xf32, #tpu.memory_space<hbm>> -> memref<1x8x1x8x128xf32, #tpu.memory_space<hbm>>
      %dma_start3A_248 = tpu.memref_squeeze %dma_start3A_247 : memref<1x8x1x8x128xf32, #tpu.memory_space<hbm>> -> memref<8x8x128xf32, #tpu.memory_space<hbm>>
      %dma_start3A_249 = tpu.memref_slice %arg9[%dma_start3A_238] : memref<2x!tpu.dma_semaphore, #tpu.memory_space<semaphore_mem>> -> memref<1x!tpu.dma_semaphore, #tpu.memory_space<semaphore_mem>>
      %dma_start3A_250 = tpu.memref_squeeze %dma_start3A_249 : memref<1x!tpu.dma_semaphore, #tpu.memory_space<semaphore_mem>> -> memref<!tpu.dma_semaphore, #tpu.memory_space<semaphore_mem>>
      %dma_start3A_251 = arith.constant 0 : i32
      %dma_start3A_252 = arith.constant 0 : i32
      %dma_start3A_253 = arith.constant 0 : i32
      %dma_start3A_254 = tpu.memref_slice %arg4[%select_n3A_234, %dma_start3A_251, %rem3A_236, %dma_start3A_252, %dma_start3A_253] : memref<50x8x128x8x128xf32, #tpu.memory_space<hbm>> -> memref<1x8x1x8x128xf32, #tpu.memory_space<hbm>>
      %dma_start3A_255 = tpu.memref_squeeze %dma_start3A_254 : memref<1x8x1x8x128xf32, #tpu.memory_space<hbm>> -> memref<8x8x128xf32, #tpu.memory_space<hbm>>
      %dma_start3A_256 = arith.constant 0 : i32
      %dma_start3A_257 = arith.constant 0 : i32
      %dma_start3A_258 = arith.constant 0 : i32
      %dma_start3A_259 = tpu.memref_slice %arg7[%dma_start3A_237, %dma_start3A_256, %dma_start3A_257, %dma_start3A_258] : memref<2x8x8x129xf32, #tpu.memory_space<vmem>> -> memref<1x8x8x128xf32, #tpu.memory_space<vmem>>
      %dma_start3A_260 = tpu.memref_squeeze %dma_start3A_259 : memref<1x8x8x128xf32, #tpu.memory_space<vmem>> -> memref<8x8x128xf32, #tpu.memory_space<vmem>>
      tpu.enqueue_dma source(%dma_start3A_260 : memref<8x8x128xf32, #tpu.memory_space<vmem>>) target(%dma_start3A_255 : memref<8x8x128xf32, #tpu.memory_space<hbm>>) target_semaphore(%dma_start3A_250 : memref<!tpu.dma_semaphore, #tpu.memory_space<semaphore_mem>>)
      %add3A_261 = arith.constant 2 : i32
      %add3A_262 = arith.addi %add3A_186, %add3A_261 : i32
      %lt3A = arith.constant 200 : i32
      %lt3A_263 = arith.cmpi slt, %add3A_262, %lt3A : i32
      %convert_element_type3A_264 = arith.extui %lt3A_263 : i1 to i32
      %cond3A_265 = arith.constant 0 : i32
      %cond3A_266 = arith.cmpi ne, %convert_element_type3A_264, %cond3A_265 : i32
      scf.if %cond3A_266 {
        %add3A_353 = arith.constant 2 : i32
        %add3A_354 = arith.addi %add3A_186, %add3A_353 : i32
        %dma_start3A_355 = arith.constant 0 : i32
        %dma_start3A_356 = arith.constant 0 : i32
        %dma_start3A_357 = arith.constant 0 : i32
        %dma_start3A_358 = arith.constant 0 : i32
        %dma_start3A_359 = tpu.memref_slice %arg6[%dma_start3A_355, %dma_start3A_357, %dma_start3A_358] : memref<2x128x64xf32, #tpu.memory_space<vmem>> -> memref<1x128x64xf32, #tpu.memory_space<vmem>>
        %dma_start3A_360 = tpu.memref_squeeze %dma_start3A_359 : memref<1x128x64xf32, #tpu.memory_space<vmem>> -> memref<128x64xf32, #tpu.memory_space<vmem>>
        %dma_start3A_361 = arith.constant 0 : i32
        %dma_start3A_362 = tpu.memref_slice %arg5[%add3A_354, %dma_start3A_361] : memref<200x128xi32, #tpu.memory_space<vmem>> -> memref<1x128xi32, #tpu.memory_space<vmem>>
        %dma_start3A_363 = tpu.memref_squeeze %dma_start3A_362 : memref<1x128xi32, #tpu.memory_space<vmem>> -> memref<128xi32, #tpu.memory_space<vmem>>
        %dma_start3A_364 = arith.constant 0 : i32
        %dma_start3A_365 = arith.constant 0 : i32
        %dma_start3A_366 = tpu.memref_slice %arg3[%dma_start3A_364, %dma_start3A_365] : memref<1000000x64xf32, #tpu.memory_space<hbm>> -> memref<1000000x64xf32, #tpu.memory_space<hbm>>
        %dma_start3A_367 = tpu.memref_slice %arg8[%dma_start3A_356] : memref<2x!tpu.dma_semaphore, #tpu.memory_space<semaphore_mem>> -> memref<1x!tpu.dma_semaphore, #tpu.memory_space<semaphore_mem>>
        %dma_start3A_368 = tpu.memref_squeeze %dma_start3A_367 : memref<1x!tpu.dma_semaphore, #tpu.memory_space<semaphore_mem>> -> memref<!tpu.dma_semaphore, #tpu.memory_space<semaphore_mem>>
        tpu.enqueue_indirect_dma source(%dma_start3A_366 : memref<1000000x64xf32, #tpu.memory_space<hbm>>) target(%dma_start3A_360 : memref<128x64xf32, #tpu.memory_space<vmem>>) offsets(%dma_start3A_363 : memref<128xi32, #tpu.memory_space<vmem>>) semaphore(%dma_start3A_368 : memref<!tpu.dma_semaphore, #tpu.memory_space<semaphore_mem>>)
      } else {
      }
      %add3A_267 = arith.constant 1 : i32
      %add3A_268 = arith.addi %add3A_184, %add3A_267 : i32
      %dma_wait3A_269 = arith.constant 1 : i32
      %dma_wait3A_270 = arith.constant 1 : i32
      %dma_wait3A_271 = arith.constant 0 : i32
      %dma_wait3A_272 = arith.constant 0 : i32
      %dma_wait3A_273 = tpu.memref_slice %arg6[%dma_wait3A_269, %dma_wait3A_271, %dma_wait3A_272] : memref<2x128x64xf32, #tpu.memory_space<vmem>> -> memref<1x128x64xf32, #tpu.memory_space<vmem>>
      %dma_wait3A_274 = tpu.memref_squeeze %dma_wait3A_273 : memref<1x128x64xf32, #tpu.memory_space<vmem>> -> memref<128x64xf32, #tpu.memory_space<vmem>>
      %dma_wait3A_275 = arith.constant 0 : i32
      %dma_wait3A_276 = tpu.memref_slice %arg5[%add3A_268, %dma_wait3A_275] : memref<200x128xi32, #tpu.memory_space<vmem>> -> memref<1x128xi32, #tpu.memory_space<vmem>>
      %dma_wait3A_277 = tpu.memref_squeeze %dma_wait3A_276 : memref<1x128xi32, #tpu.memory_space<vmem>> -> memref<128xi32, #tpu.memory_space<vmem>>
      %dma_wait3A_278 = arith.constant 0 : i32
      %dma_wait3A_279 = arith.constant 0 : i32
      %dma_wait3A_280 = tpu.memref_slice %arg3[%dma_wait3A_278, %dma_wait3A_279] : memref<1000000x64xf32, #tpu.memory_space<hbm>> -> memref<1000000x64xf32, #tpu.memory_space<hbm>>
      %dma_wait3A_281 = tpu.memref_slice %arg8[%dma_wait3A_270] : memref<2x!tpu.dma_semaphore, #tpu.memory_space<semaphore_mem>> -> memref<1x!tpu.dma_semaphore, #tpu.memory_space<semaphore_mem>>
      %dma_wait3A_282 = tpu.memref_squeeze %dma_wait3A_281 : memref<1x!tpu.dma_semaphore, #tpu.memory_space<semaphore_mem>> -> memref<!tpu.dma_semaphore, #tpu.memory_space<semaphore_mem>>
      tpu.wait_indirect_dma semaphore(%dma_wait3A_282 : memref<!tpu.dma_semaphore, #tpu.memory_space<semaphore_mem>>) src(%dma_wait3A_280 : memref<1000000x64xf32, #tpu.memory_space<hbm>>) dst(%dma_wait3A_274 : memref<128x64xf32, #tpu.memory_space<vmem>>)
      %ge3A_283 = arith.constant 2 : i32
      %ge3A_284 = arith.cmpi sge, %add3A_268, %ge3A_283 : i32
      %convert_element_type3A_285 = arith.extui %ge3A_284 : i1 to i32
      %cond3A_286 = arith.constant 0 : i32
      %cond3A_287 = arith.cmpi ne, %convert_element_type3A_285, %cond3A_286 : i32
      scf.if %cond3A_287 {
        %sub3A_353 = arith.constant 2 : i32
        %sub3A_354 = arith.subi %add3A_268, %sub3A_353 : i32
        %mul3A_355 = arith.constant 200 : i32
        %mul3A_356 = arith.muli %add3A, %mul3A_355 : i32
        %add3A_357 = arith.addi %mul3A_356, %sub3A_354 : i32
        %jit3A_358 = arith.constant 128 : i32
        %div3A_359 = arith.divsi %add3A_357, %jit3A_358 : i32
        %sign3A_360 = arith.constant 0 : i32
        %sign3A_361 = arith.cmpi sgt, %add3A_357, %sign3A_360 : i32
        %sign3A_362 = arith.extui %sign3A_361 : i1 to i32
        %sign3A_363 = arith.constant 0 : i32
        %sign3A_364 = arith.cmpi slt, %add3A_357, %sign3A_363 : i32
        %sign3A_365 = arith.extui %sign3A_364 : i1 to i32
        %sign3A_366 = arith.subi %sign3A_362, %sign3A_365 : i32
        %sign3A_367 = arith.constant 0 : i32
        %sign3A_368 = arith.cmpi sgt, %jit3A_358, %sign3A_367 : i32
        %sign3A_369 = arith.extui %sign3A_368 : i1 to i32
        %sign3A_370 = arith.constant 0 : i32
        %sign3A_371 = arith.cmpi slt, %jit3A_358, %sign3A_370 : i32
        %sign3A_372 = arith.extui %sign3A_371 : i1 to i32
        %sign3A_373 = arith.subi %sign3A_369, %sign3A_372 : i32
        %ne3A_374 = arith.cmpi ne, %sign3A_366, %sign3A_373 : i32
        %rem3A_375 = arith.remsi %add3A_357, %jit3A_358 : i32
        %ne3A_376 = arith.constant 0 : i32
        %ne3A_377 = arith.cmpi ne, %rem3A_375, %ne3A_376 : i32
        %and3A_378 = arith.andi %ne3A_374, %ne3A_377 : i1
        %sub3A_379 = arith.constant 1 : i32
        %sub3A_380 = arith.subi %div3A_359, %sub3A_379 : i32
        %select_n3A_381 = arith.select %and3A_378, %sub3A_380, %div3A_359 : i32
        %rem3A_382 = arith.constant 128 : i32
        %rem3A_383 = arith.remsi %add3A_357, %rem3A_382 : i32
        %dma_wait3A_384 = arith.constant 1 : i32
        %dma_wait3A_385 = arith.constant 1 : i32
        %dma_wait3A_386 = arith.constant 0 : i32
        %dma_wait3A_387 = arith.constant 0 : i32
        %dma_wait3A_388 = arith.constant 0 : i32
        %dma_wait3A_389 = tpu.memref_slice %arg7[%dma_wait3A_384, %dma_wait3A_386, %dma_wait3A_387, %dma_wait3A_388] : memref<2x8x8x129xf32, #tpu.memory_space<vmem>> -> memref<1x8x8x128xf32, #tpu.memory_space<vmem>>
        %dma_wait3A_390 = tpu.memref_squeeze %dma_wait3A_389 : memref<1x8x8x128xf32, #tpu.memory_space<vmem>> -> memref<8x8x128xf32, #tpu.memory_space<vmem>>
        %dma_wait3A_391 = arith.constant 0 : i32
        %dma_wait3A_392 = arith.constant 0 : i32
        %dma_wait3A_393 = arith.constant 0 : i32
        %dma_wait3A_394 = tpu.memref_slice %arg4[%select_n3A_381, %dma_wait3A_391, %rem3A_383, %dma_wait3A_392, %dma_wait3A_393] : memref<50x8x128x8x128xf32, #tpu.memory_space<hbm>> -> memref<1x8x1x8x128xf32, #tpu.memory_space<hbm>>
        %dma_wait3A_395 = tpu.memref_squeeze %dma_wait3A_394 : memref<1x8x1x8x128xf32, #tpu.memory_space<hbm>> -> memref<8x8x128xf32, #tpu.memory_space<hbm>>
        %dma_wait3A_396 = tpu.memref_slice %arg9[%dma_wait3A_385] : memref<2x!tpu.dma_semaphore, #tpu.memory_space<semaphore_mem>> -> memref<1x!tpu.dma_semaphore, #tpu.memory_space<semaphore_mem>>
        %dma_wait3A_397 = tpu.memref_squeeze %dma_wait3A_396 : memref<1x!tpu.dma_semaphore, #tpu.memory_space<semaphore_mem>> -> memref<!tpu.dma_semaphore, #tpu.memory_space<semaphore_mem>>
        %dma_wait3A_398 = arith.constant 0 : i32
        %dma_wait3A_399 = arith.constant 0 : i32
        %dma_wait3A_400 = arith.constant 0 : i32
        %dma_wait3A_401 = tpu.memref_slice %arg4[%select_n3A_381, %dma_wait3A_398, %rem3A_383, %dma_wait3A_399, %dma_wait3A_400] : memref<50x8x128x8x128xf32, #tpu.memory_space<hbm>> -> memref<1x8x1x8x128xf32, #tpu.memory_space<hbm>>
        %dma_wait3A_402 = tpu.memref_squeeze %dma_wait3A_401 : memref<1x8x1x8x128xf32, #tpu.memory_space<hbm>> -> memref<8x8x128xf32, #tpu.memory_space<hbm>>
        %dma_wait3A_403 = arith.constant 0 : i32
        %dma_wait3A_404 = arith.constant 0 : i32
        %dma_wait3A_405 = arith.constant 0 : i32
        %dma_wait3A_406 = tpu.memref_slice %arg7[%dma_wait3A_384, %dma_wait3A_403, %dma_wait3A_404, %dma_wait3A_405] : memref<2x8x8x129xf32, #tpu.memory_space<vmem>> -> memref<1x8x8x128xf32, #tpu.memory_space<vmem>>
        %dma_wait3A_407 = tpu.memref_squeeze %dma_wait3A_406 : memref<1x8x8x128xf32, #tpu.memory_space<vmem>> -> memref<8x8x128xf32, #tpu.memory_space<vmem>>
        tpu.wait_dma2 semaphore(%dma_wait3A_397 : memref<!tpu.dma_semaphore, #tpu.memory_space<semaphore_mem>>) src(%dma_wait3A_407 : memref<8x8x128xf32, #tpu.memory_space<vmem>>) dst(%dma_wait3A_402 : memref<8x8x128xf32, #tpu.memory_space<hbm>>)
      } else {
      }
      %scan3A_288 = arith.constant 0 : i32
      %scan3A_289 = arith.constant 32 : i32
      %scan3A_290 = arith.addi %scan3A_288, %scan3A_289 : i32
      %scan3A_291 = arith.constant 1 : i32
      scf.for %scan3A_353 = %scan3A_288 to %scan3A_290 step %scan3A_291  : i32 {
        %mul3A_354 = arith.constant 4 : i32
        %mul3A_355 = arith.muli %scan3A_353, %mul3A_354 : i32
        %add3A_356 = arith.constant 0 : i32
        %add3A_357 = arith.addi %add3A_356, %mul3A_355 : i32
        %add3A_358 = arith.constant 0 : i32
        %add3A_359 = arith.addi %add3A_357, %add3A_358 : i32
        %broadcast_in_dim3A = vector.broadcast %add3A_359 : i32 to vector<16xi32>
        %get3A = arith.constant 1 : i32
        %get3A_360 = arith.index_cast %get3A : i32 to index
        %get3A_361 = arith.index_cast %add3A_359 : i32 to index
        %get3A_362 = arith.constant 0 : index
        %get3A_363 = tpu.vector_load %arg6[%get3A_360, %get3A_361, %get3A_362] {strides = array<i32>} : memref<2x128x64xf32, #tpu.memory_space<vmem>>, vector<16xf32>,
        %mul3A_364 = arith.constant 8.000000e+00 : f32
        %mul3A_365 = vector.broadcast %mul3A_364 : f32 to vector<16xf32>
        %mul3A_366 = arith.mulf %get3A_363, %mul3A_365 : vector<16xf32>
        %scatter3A = arith.constant 1 : i32
        %scatter3A_367 = arith.constant 0 : i32
        %scatter3A_368 = arith.constant 0 : i32
        %scatter3A_369 = arith.constant 0 : i32
        %scatter3A_370 = tpu.memref_slice %arg7[%scatter3A, %scatter3A_367, %scatter3A_368, %scatter3A_369] : memref<2x8x8x129xf32, #tpu.memory_space<vmem>> -> memref<1x8x8x129xf32, #tpu.memory_space<vmem>>
        %scatter3A_371 = tpu.memref_squeeze %scatter3A_370 : memref<1x8x8x129xf32, #tpu.memory_space<vmem>> -> memref<8x8x129xf32, #tpu.memory_space<vmem>>
        tpu.vector_store_idx %scatter3A_371[%shift_right_arithmetic3A_5, %and3A_28, %broadcast_in_dim3A], %mul3A_366 : memref<8x8x129xf32, #tpu.memory_space<vmem>>[vector<16xi32>, vector<16xi32>, vector<16xi32>], vector<16xf32>,
        %get3A_372 = arith.constant 1 : i32
        %get3A_373 = arith.index_cast %get3A_372 : i32 to index
        %get3A_374 = arith.index_cast %add3A_359 : i32 to index
        %get3A_375 = arith.constant 16 : index
        %get3A_376 = tpu.vector_load %arg6[%get3A_373, %get3A_374, %get3A_375] {strides = array<i32>} : memref<2x128x64xf32, #tpu.memory_space<vmem>>, vector<16xf32>,
        %mul3A_377 = arith.constant 8.000000e+00 : f32
        %mul3A_378 = vector.broadcast %mul3A_377 : f32 to vector<16xf32>
        %mul3A_379 = arith.mulf %get3A_376, %mul3A_378 : vector<16xf32>
        %scatter3A_380 = arith.constant 1 : i32
        %scatter3A_381 = arith.constant 0 : i32
        %scatter3A_382 = arith.constant 0 : i32
        %scatter3A_383 = arith.constant 0 : i32
        %scatter3A_384 = tpu.memref_slice %arg7[%scatter3A_380, %scatter3A_381, %scatter3A_382, %scatter3A_383] : memref<2x8x8x129xf32, #tpu.memory_space<vmem>> -> memref<1x8x8x129xf32, #tpu.memory_space<vmem>>
        %scatter3A_385 = tpu.memref_squeeze %scatter3A_384 : memref<1x8x8x129xf32, #tpu.memory_space<vmem>> -> memref<8x8x129xf32, #tpu.memory_space<vmem>>
        tpu.vector_store_idx %scatter3A_385[%shift_right_arithmetic3A_11, %and3A_34, %broadcast_in_dim3A], %mul3A_379 : memref<8x8x129xf32, #tpu.memory_space<vmem>>[vector<16xi32>, vector<16xi32>, vector<16xi32>], vector<16xf32>,
        %get3A_386 = arith.constant 1 : i32
        %get3A_387 = arith.index_cast %get3A_386 : i32 to index
        %get3A_388 = arith.index_cast %add3A_359 : i32 to index
        %get3A_389 = arith.constant 32 : index
        %get3A_390 = tpu.vector_load %arg6[%get3A_387, %get3A_388, %get3A_389] {strides = array<i32>} : memref<2x128x64xf32, #tpu.memory_space<vmem>>, vector<16xf32>,
        %mul3A_391 = arith.constant 8.000000e+00 : f32
        %mul3A_392 = vector.broadcast %mul3A_391 : f32 to vector<16xf32>
        %mul3A_393 = arith.mulf %get3A_390, %mul3A_392 : vector<16xf32>
        %scatter3A_394 = arith.constant 1 : i32
        %scatter3A_395 = arith.constant 0 : i32
        %scatter3A_396 = arith.constant 0 : i32
        %scatter3A_397 = arith.constant 0 : i32
        %scatter3A_398 = tpu.memref_slice %arg7[%scatter3A_394, %scatter3A_395, %scatter3A_396, %scatter3A_397] : memref<2x8x8x129xf32, #tpu.memory_space<vmem>> -> memref<1x8x8x129xf32, #tpu.memory_space<vmem>>
        %scatter3A_399 = tpu.memref_squeeze %scatter3A_398 : memref<1x8x8x129xf32, #tpu.memory_space<vmem>> -> memref<8x8x129xf32, #tpu.memory_space<vmem>>
        tpu.vector_store_idx %scatter3A_399[%shift_right_arithmetic3A_17, %and3A_40, %broadcast_in_dim3A], %mul3A_393 : memref<8x8x129xf32, #tpu.memory_space<vmem>>[vector<16xi32>, vector<16xi32>, vector<16xi32>], vector<16xf32>,
        %get3A_400 = arith.constant 1 : i32
        %get3A_401 = arith.index_cast %get3A_400 : i32 to index
        %get3A_402 = arith.index_cast %add3A_359 : i32 to index
        %get3A_403 = arith.constant 48 : index
        %get3A_404 = tpu.vector_load %arg6[%get3A_401, %get3A_402, %get3A_403] {strides = array<i32>} : memref<2x128x64xf32, #tpu.memory_space<vmem>>, vector<16xf32>,
        %mul3A_405 = arith.constant 8.000000e+00 : f32
        %mul3A_406 = vector.broadcast %mul3A_405 : f32 to vector<16xf32>
        %mul3A_407 = arith.mulf %get3A_404, %mul3A_406 : vector<16xf32>
        %scatter3A_408 = arith.constant 1 : i32
        %scatter3A_409 = arith.constant 0 : i32
        %scatter3A_410 = arith.constant 0 : i32
        %scatter3A_411 = arith.constant 0 : i32
        %scatter3A_412 = tpu.memref_slice %arg7[%scatter3A_408, %scatter3A_409, %scatter3A_410, %scatter3A_411] : memref<2x8x8x129xf32, #tpu.memory_space<vmem>> -> memref<1x8x8x129xf32, #tpu.memory_space<vmem>>
        %scatter3A_413 = tpu.memref_squeeze %scatter3A_412 : memref<1x8x8x129xf32, #tpu.memory_space<vmem>> -> memref<8x8x129xf32, #tpu.memory_space<vmem>>
        tpu.vector_store_idx %scatter3A_413[%shift_right_arithmetic3A_23, %and3A_46, %broadcast_in_dim3A], %mul3A_407 : memref<8x8x129xf32, #tpu.memory_space<vmem>>[vector<16xi32>, vector<16xi32>, vector<16xi32>], vector<16xf32>,
        %add3A_414 = arith.constant 1 : i32
        %add3A_415 = arith.addi %add3A_357, %add3A_414 : i32
        %broadcast_in_dim3A_416 = vector.broadcast %add3A_415 : i32 to vector<16xi32>
        %get3A_417 = arith.constant 1 : i32
        %get3A_418 = arith.index_cast %get3A_417 : i32 to index
        %get3A_419 = arith.index_cast %add3A_415 : i32 to index
        %get3A_420 = arith.constant 0 : index
        %get3A_421 = tpu.vector_load %arg6[%get3A_418, %get3A_419, %get3A_420] {strides = array<i32>} : memref<2x128x64xf32, #tpu.memory_space<vmem>>, vector<16xf32>,
        %mul3A_422 = arith.constant 8.000000e+00 : f32
        %mul3A_423 = vector.broadcast %mul3A_422 : f32 to vector<16xf32>
        %mul3A_424 = arith.mulf %get3A_421, %mul3A_423 : vector<16xf32>
        %scatter3A_425 = arith.constant 1 : i32
        %scatter3A_426 = arith.constant 0 : i32
        %scatter3A_427 = arith.constant 0 : i32
        %scatter3A_428 = arith.constant 0 : i32
        %scatter3A_429 = tpu.memref_slice %arg7[%scatter3A_425, %scatter3A_426, %scatter3A_427, %scatter3A_428] : memref<2x8x8x129xf32, #tpu.memory_space<vmem>> -> memref<1x8x8x129xf32, #tpu.memory_space<vmem>>
        %scatter3A_430 = tpu.memref_squeeze %scatter3A_429 : memref<1x8x8x129xf32, #tpu.memory_space<vmem>> -> memref<8x8x129xf32, #tpu.memory_space<vmem>>
        tpu.vector_store_idx %scatter3A_430[%shift_right_arithmetic3A_5, %and3A_28, %broadcast_in_dim3A_416], %mul3A_424 : memref<8x8x129xf32, #tpu.memory_space<vmem>>[vector<16xi32>, vector<16xi32>, vector<16xi32>], vector<16xf32>,
        %get3A_431 = arith.constant 1 : i32
        %get3A_432 = arith.index_cast %get3A_431 : i32 to index
        %get3A_433 = arith.index_cast %add3A_415 : i32 to index
        %get3A_434 = arith.constant 16 : index
        %get3A_435 = tpu.vector_load %arg6[%get3A_432, %get3A_433, %get3A_434] {strides = array<i32>} : memref<2x128x64xf32, #tpu.memory_space<vmem>>, vector<16xf32>,
        %mul3A_436 = arith.constant 8.000000e+00 : f32
        %mul3A_437 = vector.broadcast %mul3A_436 : f32 to vector<16xf32>
        %mul3A_438 = arith.mulf %get3A_435, %mul3A_437 : vector<16xf32>
        %scatter3A_439 = arith.constant 1 : i32
        %scatter3A_440 = arith.constant 0 : i32
        %scatter3A_441 = arith.constant 0 : i32
        %scatter3A_442 = arith.constant 0 : i32
        %scatter3A_443 = tpu.memref_slice %arg7[%scatter3A_439, %scatter3A_440, %scatter3A_441, %scatter3A_442] : memref<2x8x8x129xf32, #tpu.memory_space<vmem>> -> memref<1x8x8x129xf32, #tpu.memory_space<vmem>>
        %scatter3A_444 = tpu.memref_squeeze %scatter3A_443 : memref<1x8x8x129xf32, #tpu.memory_space<vmem>> -> memref<8x8x129xf32, #tpu.memory_space<vmem>>
        tpu.vector_store_idx %scatter3A_444[%shift_right_arithmetic3A_11, %and3A_34, %broadcast_in_dim3A_416], %mul3A_438 : memref<8x8x129xf32, #tpu.memory_space<vmem>>[vector<16xi32>, vector<16xi32>, vector<16xi32>], vector<16xf32>,
        %get3A_445 = arith.constant 1 : i32
        %get3A_446 = arith.index_cast %get3A_445 : i32 to index
        %get3A_447 = arith.index_cast %add3A_415 : i32 to index
        %get3A_448 = arith.constant 32 : index
        %get3A_449 = tpu.vector_load %arg6[%get3A_446, %get3A_447, %get3A_448] {strides = array<i32>} : memref<2x128x64xf32, #tpu.memory_space<vmem>>, vector<16xf32>,
        %mul3A_450 = arith.constant 8.000000e+00 : f32
        %mul3A_451 = vector.broadcast %mul3A_450 : f32 to vector<16xf32>
        %mul3A_452 = arith.mulf %get3A_449, %mul3A_451 : vector<16xf32>
        %scatter3A_453 = arith.constant 1 : i32
        %scatter3A_454 = arith.constant 0 : i32
        %scatter3A_455 = arith.constant 0 : i32
        %scatter3A_456 = arith.constant 0 : i32
        %scatter3A_457 = tpu.memref_slice %arg7[%scatter3A_453, %scatter3A_454, %scatter3A_455, %scatter3A_456] : memref<2x8x8x129xf32, #tpu.memory_space<vmem>> -> memref<1x8x8x129xf32, #tpu.memory_space<vmem>>
        %scatter3A_458 = tpu.memref_squeeze %scatter3A_457 : memref<1x8x8x129xf32, #tpu.memory_space<vmem>> -> memref<8x8x129xf32, #tpu.memory_space<vmem>>
        tpu.vector_store_idx %scatter3A_458[%shift_right_arithmetic3A_17, %and3A_40, %broadcast_in_dim3A_416], %mul3A_452 : memref<8x8x129xf32, #tpu.memory_space<vmem>>[vector<16xi32>, vector<16xi32>, vector<16xi32>], vector<16xf32>,
        %get3A_459 = arith.constant 1 : i32
        %get3A_460 = arith.index_cast %get3A_459 : i32 to index
        %get3A_461 = arith.index_cast %add3A_415 : i32 to index
        %get3A_462 = arith.constant 48 : index
        %get3A_463 = tpu.vector_load %arg6[%get3A_460, %get3A_461, %get3A_462] {strides = array<i32>} : memref<2x128x64xf32, #tpu.memory_space<vmem>>, vector<16xf32>,
        %mul3A_464 = arith.constant 8.000000e+00 : f32
        %mul3A_465 = vector.broadcast %mul3A_464 : f32 to vector<16xf32>
        %mul3A_466 = arith.mulf %get3A_463, %mul3A_465 : vector<16xf32>
        %scatter3A_467 = arith.constant 1 : i32
        %scatter3A_468 = arith.constant 0 : i32
        %scatter3A_469 = arith.constant 0 : i32
        %scatter3A_470 = arith.constant 0 : i32
        %scatter3A_471 = tpu.memref_slice %arg7[%scatter3A_467, %scatter3A_468, %scatter3A_469, %scatter3A_470] : memref<2x8x8x129xf32, #tpu.memory_space<vmem>> -> memref<1x8x8x129xf32, #tpu.memory_space<vmem>>
        %scatter3A_472 = tpu.memref_squeeze %scatter3A_471 : memref<1x8x8x129xf32, #tpu.memory_space<vmem>> -> memref<8x8x129xf32, #tpu.memory_space<vmem>>
        tpu.vector_store_idx %scatter3A_472[%shift_right_arithmetic3A_23, %and3A_46, %broadcast_in_dim3A_416], %mul3A_466 : memref<8x8x129xf32, #tpu.memory_space<vmem>>[vector<16xi32>, vector<16xi32>, vector<16xi32>], vector<16xf32>,
        %add3A_473 = arith.constant 2 : i32
        %add3A_474 = arith.addi %add3A_357, %add3A_473 : i32
        %broadcast_in_dim3A_475 = vector.broadcast %add3A_474 : i32 to vector<16xi32>
        %get3A_476 = arith.constant 1 : i32
        %get3A_477 = arith.index_cast %get3A_476 : i32 to index
        %get3A_478 = arith.index_cast %add3A_474 : i32 to index
        %get3A_479 = arith.constant 0 : index
        %get3A_480 = tpu.vector_load %arg6[%get3A_477, %get3A_478, %get3A_479] {strides = array<i32>} : memref<2x128x64xf32, #tpu.memory_space<vmem>>, vector<16xf32>,
        %mul3A_481 = arith.constant 8.000000e+00 : f32
        %mul3A_482 = vector.broadcast %mul3A_481 : f32 to vector<16xf32>
        %mul3A_483 = arith.mulf %get3A_480, %mul3A_482 : vector<16xf32>
        %scatter3A_484 = arith.constant 1 : i32
        %scatter3A_485 = arith.constant 0 : i32
        %scatter3A_486 = arith.constant 0 : i32
        %scatter3A_487 = arith.constant 0 : i32
        %scatter3A_488 = tpu.memref_slice %arg7[%scatter3A_484, %scatter3A_485, %scatter3A_486, %scatter3A_487] : memref<2x8x8x129xf32, #tpu.memory_space<vmem>> -> memref<1x8x8x129xf32, #tpu.memory_space<vmem>>
        %scatter3A_489 = tpu.memref_squeeze %scatter3A_488 : memref<1x8x8x129xf32, #tpu.memory_space<vmem>> -> memref<8x8x129xf32, #tpu.memory_space<vmem>>
        tpu.vector_store_idx %scatter3A_489[%shift_right_arithmetic3A_5, %and3A_28, %broadcast_in_dim3A_475], %mul3A_483 : memref<8x8x129xf32, #tpu.memory_space<vmem>>[vector<16xi32>, vector<16xi32>, vector<16xi32>], vector<16xf32>,
        %get3A_490 = arith.constant 1 : i32
        %get3A_491 = arith.index_cast %get3A_490 : i32 to index
        %get3A_492 = arith.index_cast %add3A_474 : i32 to index
        %get3A_493 = arith.constant 16 : index
        %get3A_494 = tpu.vector_load %arg6[%get3A_491, %get3A_492, %get3A_493] {strides = array<i32>} : memref<2x128x64xf32, #tpu.memory_space<vmem>>, vector<16xf32>,
        %mul3A_495 = arith.constant 8.000000e+00 : f32
        %mul3A_496 = vector.broadcast %mul3A_495 : f32 to vector<16xf32>
        %mul3A_497 = arith.mulf %get3A_494, %mul3A_496 : vector<16xf32>
        %scatter3A_498 = arith.constant 1 : i32
        %scatter3A_499 = arith.constant 0 : i32
        %scatter3A_500 = arith.constant 0 : i32
        %scatter3A_501 = arith.constant 0 : i32
        %scatter3A_502 = tpu.memref_slice %arg7[%scatter3A_498, %scatter3A_499, %scatter3A_500, %scatter3A_501] : memref<2x8x8x129xf32, #tpu.memory_space<vmem>> -> memref<1x8x8x129xf32, #tpu.memory_space<vmem>>
        %scatter3A_503 = tpu.memref_squeeze %scatter3A_502 : memref<1x8x8x129xf32, #tpu.memory_space<vmem>> -> memref<8x8x129xf32, #tpu.memory_space<vmem>>
        tpu.vector_store_idx %scatter3A_503[%shift_right_arithmetic3A_11, %and3A_34, %broadcast_in_dim3A_475], %mul3A_497 : memref<8x8x129xf32, #tpu.memory_space<vmem>>[vector<16xi32>, vector<16xi32>, vector<16xi32>], vector<16xf32>,
        %get3A_504 = arith.constant 1 : i32
        %get3A_505 = arith.index_cast %get3A_504 : i32 to index
        %get3A_506 = arith.index_cast %add3A_474 : i32 to index
        %get3A_507 = arith.constant 32 : index
        %get3A_508 = tpu.vector_load %arg6[%get3A_505, %get3A_506, %get3A_507] {strides = array<i32>} : memref<2x128x64xf32, #tpu.memory_space<vmem>>, vector<16xf32>,
        %mul3A_509 = arith.constant 8.000000e+00 : f32
        %mul3A_510 = vector.broadcast %mul3A_509 : f32 to vector<16xf32>
        %mul3A_511 = arith.mulf %get3A_508, %mul3A_510 : vector<16xf32>
        %scatter3A_512 = arith.constant 1 : i32
        %scatter3A_513 = arith.constant 0 : i32
        %scatter3A_514 = arith.constant 0 : i32
        %scatter3A_515 = arith.constant 0 : i32
        %scatter3A_516 = tpu.memref_slice %arg7[%scatter3A_512, %scatter3A_513, %scatter3A_514, %scatter3A_515] : memref<2x8x8x129xf32, #tpu.memory_space<vmem>> -> memref<1x8x8x129xf32, #tpu.memory_space<vmem>>
        %scatter3A_517 = tpu.memref_squeeze %scatter3A_516 : memref<1x8x8x129xf32, #tpu.memory_space<vmem>> -> memref<8x8x129xf32, #tpu.memory_space<vmem>>
        tpu.vector_store_idx %scatter3A_517[%shift_right_arithmetic3A_17, %and3A_40, %broadcast_in_dim3A_475], %mul3A_511 : memref<8x8x129xf32, #tpu.memory_space<vmem>>[vector<16xi32>, vector<16xi32>, vector<16xi32>], vector<16xf32>,
        %get3A_518 = arith.constant 1 : i32
        %get3A_519 = arith.index_cast %get3A_518 : i32 to index
        %get3A_520 = arith.index_cast %add3A_474 : i32 to index
        %get3A_521 = arith.constant 48 : index
        %get3A_522 = tpu.vector_load %arg6[%get3A_519, %get3A_520, %get3A_521] {strides = array<i32>} : memref<2x128x64xf32, #tpu.memory_space<vmem>>, vector<16xf32>,
        %mul3A_523 = arith.constant 8.000000e+00 : f32
        %mul3A_524 = vector.broadcast %mul3A_523 : f32 to vector<16xf32>
        %mul3A_525 = arith.mulf %get3A_522, %mul3A_524 : vector<16xf32>
        %scatter3A_526 = arith.constant 1 : i32
        %scatter3A_527 = arith.constant 0 : i32
        %scatter3A_528 = arith.constant 0 : i32
        %scatter3A_529 = arith.constant 0 : i32
        %scatter3A_530 = tpu.memref_slice %arg7[%scatter3A_526, %scatter3A_527, %scatter3A_528, %scatter3A_529] : memref<2x8x8x129xf32, #tpu.memory_space<vmem>> -> memref<1x8x8x129xf32, #tpu.memory_space<vmem>>
        %scatter3A_531 = tpu.memref_squeeze %scatter3A_530 : memref<1x8x8x129xf32, #tpu.memory_space<vmem>> -> memref<8x8x129xf32, #tpu.memory_space<vmem>>
        tpu.vector_store_idx %scatter3A_531[%shift_right_arithmetic3A_23, %and3A_46, %broadcast_in_dim3A_475], %mul3A_525 : memref<8x8x129xf32, #tpu.memory_space<vmem>>[vector<16xi32>, vector<16xi32>, vector<16xi32>], vector<16xf32>,
        %add3A_532 = arith.constant 3 : i32
        %add3A_533 = arith.addi %add3A_357, %add3A_532 : i32
        %broadcast_in_dim3A_534 = vector.broadcast %add3A_533 : i32 to vector<16xi32>
        %get3A_535 = arith.constant 1 : i32
        %get3A_536 = arith.index_cast %get3A_535 : i32 to index
        %get3A_537 = arith.index_cast %add3A_533 : i32 to index
        %get3A_538 = arith.constant 0 : index
        %get3A_539 = tpu.vector_load %arg6[%get3A_536, %get3A_537, %get3A_538] {strides = array<i32>} : memref<2x128x64xf32, #tpu.memory_space<vmem>>, vector<16xf32>,
        %mul3A_540 = arith.constant 8.000000e+00 : f32
        %mul3A_541 = vector.broadcast %mul3A_540 : f32 to vector<16xf32>
        %mul3A_542 = arith.mulf %get3A_539, %mul3A_541 : vector<16xf32>
        %scatter3A_543 = arith.constant 1 : i32
        %scatter3A_544 = arith.constant 0 : i32
        %scatter3A_545 = arith.constant 0 : i32
        %scatter3A_546 = arith.constant 0 : i32
        %scatter3A_547 = tpu.memref_slice %arg7[%scatter3A_543, %scatter3A_544, %scatter3A_545, %scatter3A_546] : memref<2x8x8x129xf32, #tpu.memory_space<vmem>> -> memref<1x8x8x129xf32, #tpu.memory_space<vmem>>
        %scatter3A_548 = tpu.memref_squeeze %scatter3A_547 : memref<1x8x8x129xf32, #tpu.memory_space<vmem>> -> memref<8x8x129xf32, #tpu.memory_space<vmem>>
        tpu.vector_store_idx %scatter3A_548[%shift_right_arithmetic3A_5, %and3A_28, %broadcast_in_dim3A_534], %mul3A_542 : memref<8x8x129xf32, #tpu.memory_space<vmem>>[vector<16xi32>, vector<16xi32>, vector<16xi32>], vector<16xf32>,
        %get3A_549 = arith.constant 1 : i32
        %get3A_550 = arith.index_cast %get3A_549 : i32 to index
        %get3A_551 = arith.index_cast %add3A_533 : i32 to index
        %get3A_552 = arith.constant 16 : index
        %get3A_553 = tpu.vector_load %arg6[%get3A_550, %get3A_551, %get3A_552] {strides = array<i32>} : memref<2x128x64xf32, #tpu.memory_space<vmem>>, vector<16xf32>,
        %mul3A_554 = arith.constant 8.000000e+00 : f32
        %mul3A_555 = vector.broadcast %mul3A_554 : f32 to vector<16xf32>
        %mul3A_556 = arith.mulf %get3A_553, %mul3A_555 : vector<16xf32>
        %scatter3A_557 = arith.constant 1 : i32
        %scatter3A_558 = arith.constant 0 : i32
        %scatter3A_559 = arith.constant 0 : i32
        %scatter3A_560 = arith.constant 0 : i32
        %scatter3A_561 = tpu.memref_slice %arg7[%scatter3A_557, %scatter3A_558, %scatter3A_559, %scatter3A_560] : memref<2x8x8x129xf32, #tpu.memory_space<vmem>> -> memref<1x8x8x129xf32, #tpu.memory_space<vmem>>
        %scatter3A_562 = tpu.memref_squeeze %scatter3A_561 : memref<1x8x8x129xf32, #tpu.memory_space<vmem>> -> memref<8x8x129xf32, #tpu.memory_space<vmem>>
        tpu.vector_store_idx %scatter3A_562[%shift_right_arithmetic3A_11, %and3A_34, %broadcast_in_dim3A_534], %mul3A_556 : memref<8x8x129xf32, #tpu.memory_space<vmem>>[vector<16xi32>, vector<16xi32>, vector<16xi32>], vector<16xf32>,
        %get3A_563 = arith.constant 1 : i32
        %get3A_564 = arith.index_cast %get3A_563 : i32 to index
        %get3A_565 = arith.index_cast %add3A_533 : i32 to index
        %get3A_566 = arith.constant 32 : index
        %get3A_567 = tpu.vector_load %arg6[%get3A_564, %get3A_565, %get3A_566] {strides = array<i32>} : memref<2x128x64xf32, #tpu.memory_space<vmem>>, vector<16xf32>,
        %mul3A_568 = arith.constant 8.000000e+00 : f32
        %mul3A_569 = vector.broadcast %mul3A_568 : f32 to vector<16xf32>
        %mul3A_570 = arith.mulf %get3A_567, %mul3A_569 : vector<16xf32>
        %scatter3A_571 = arith.constant 1 : i32
        %scatter3A_572 = arith.constant 0 : i32
        %scatter3A_573 = arith.constant 0 : i32
        %scatter3A_574 = arith.constant 0 : i32
        %scatter3A_575 = tpu.memref_slice %arg7[%scatter3A_571, %scatter3A_572, %scatter3A_573, %scatter3A_574] : memref<2x8x8x129xf32, #tpu.memory_space<vmem>> -> memref<1x8x8x129xf32, #tpu.memory_space<vmem>>
        %scatter3A_576 = tpu.memref_squeeze %scatter3A_575 : memref<1x8x8x129xf32, #tpu.memory_space<vmem>> -> memref<8x8x129xf32, #tpu.memory_space<vmem>>
        tpu.vector_store_idx %scatter3A_576[%shift_right_arithmetic3A_17, %and3A_40, %broadcast_in_dim3A_534], %mul3A_570 : memref<8x8x129xf32, #tpu.memory_space<vmem>>[vector<16xi32>, vector<16xi32>, vector<16xi32>], vector<16xf32>,
        %get3A_577 = arith.constant 1 : i32
        %get3A_578 = arith.index_cast %get3A_577 : i32 to index
        %get3A_579 = arith.index_cast %add3A_533 : i32 to index
        %get3A_580 = arith.constant 48 : index
        %get3A_581 = tpu.vector_load %arg6[%get3A_578, %get3A_579, %get3A_580] {strides = array<i32>} : memref<2x128x64xf32, #tpu.memory_space<vmem>>, vector<16xf32>,
        %mul3A_582 = arith.constant 8.000000e+00 : f32
        %mul3A_583 = vector.broadcast %mul3A_582 : f32 to vector<16xf32>
        %mul3A_584 = arith.mulf %get3A_581, %mul3A_583 : vector<16xf32>
        %scatter3A_585 = arith.constant 1 : i32
        %scatter3A_586 = arith.constant 0 : i32
        %scatter3A_587 = arith.constant 0 : i32
        %scatter3A_588 = arith.constant 0 : i32
        %scatter3A_589 = tpu.memref_slice %arg7[%scatter3A_585, %scatter3A_586, %scatter3A_587, %scatter3A_588] : memref<2x8x8x129xf32, #tpu.memory_space<vmem>> -> memref<1x8x8x129xf32, #tpu.memory_space<vmem>>
        %scatter3A_590 = tpu.memref_squeeze %scatter3A_589 : memref<1x8x8x129xf32, #tpu.memory_space<vmem>> -> memref<8x8x129xf32, #tpu.memory_space<vmem>>
        tpu.vector_store_idx %scatter3A_590[%shift_right_arithmetic3A_23, %and3A_46, %broadcast_in_dim3A_534], %mul3A_584 : memref<8x8x129xf32, #tpu.memory_space<vmem>>[vector<16xi32>, vector<16xi32>, vector<16xi32>], vector<16xf32>,
      }
      %scan3A_292 = arith.constant 32 : i32
      %mul3A_293 = arith.constant 200 : i32
      %mul3A_294 = arith.muli %add3A, %mul3A_293 : i32
      %add3A_295 = arith.addi %mul3A_294, %add3A_268 : i32
      %jit3A_296 = arith.constant 128 : i32
      %div3A_297 = arith.divsi %add3A_295, %jit3A_296 : i32
      %sign3A_298 = arith.constant 0 : i32
      %sign3A_299 = arith.cmpi sgt, %add3A_295, %sign3A_298 : i32
      %sign3A_300 = arith.extui %sign3A_299 : i1 to i32
      %sign3A_301 = arith.constant 0 : i32
      %sign3A_302 = arith.cmpi slt, %add3A_295, %sign3A_301 : i32
      %sign3A_303 = arith.extui %sign3A_302 : i1 to i32
      %sign3A_304 = arith.subi %sign3A_300, %sign3A_303 : i32
      %sign3A_305 = arith.constant 0 : i32
      %sign3A_306 = arith.cmpi sgt, %jit3A_296, %sign3A_305 : i32
      %sign3A_307 = arith.extui %sign3A_306 : i1 to i32
      %sign3A_308 = arith.constant 0 : i32
      %sign3A_309 = arith.cmpi slt, %jit3A_296, %sign3A_308 : i32
      %sign3A_310 = arith.extui %sign3A_309 : i1 to i32
      %sign3A_311 = arith.subi %sign3A_307, %sign3A_310 : i32
      %ne3A_312 = arith.cmpi ne, %sign3A_304, %sign3A_311 : i32
      %rem3A_313 = arith.remsi %add3A_295, %jit3A_296 : i32
      %ne3A_314 = arith.constant 0 : i32
      %ne3A_315 = arith.cmpi ne, %rem3A_313, %ne3A_314 : i32
      %and3A_316 = arith.andi %ne3A_312, %ne3A_315 : i1
      %sub3A_317 = arith.constant 1 : i32
      %sub3A_318 = arith.subi %div3A_297, %sub3A_317 : i32
      %select_n3A_319 = arith.select %and3A_316, %sub3A_318, %div3A_297 : i32
      %rem3A_320 = arith.constant 128 : i32
      %rem3A_321 = arith.remsi %add3A_295, %rem3A_320 : i32
      %dma_start3A_322 = arith.constant 1 : i32
      %dma_start3A_323 = arith.constant 1 : i32
      %dma_start3A_324 = arith.constant 0 : i32
      %dma_start3A_325 = arith.constant 0 : i32
      %dma_start3A_326 = arith.constant 0 : i32
      %dma_start3A_327 = tpu.memref_slice %arg7[%dma_start3A_322, %dma_start3A_324, %dma_start3A_325, %dma_start3A_326] : memref<2x8x8x129xf32, #tpu.memory_space<vmem>> -> memref<1x8x8x128xf32, #tpu.memory_space<vmem>>
      %dma_start3A_328 = tpu.memref_squeeze %dma_start3A_327 : memref<1x8x8x128xf32, #tpu.memory_space<vmem>> -> memref<8x8x128xf32, #tpu.memory_space<vmem>>
      %dma_start3A_329 = arith.constant 0 : i32
      %dma_start3A_330 = arith.constant 0 : i32
      %dma_start3A_331 = arith.constant 0 : i32
      %dma_start3A_332 = tpu.memref_slice %arg4[%select_n3A_319, %dma_start3A_329, %rem3A_321, %dma_start3A_330, %dma_start3A_331] : memref<50x8x128x8x128xf32, #tpu.memory_space<hbm>> -> memref<1x8x1x8x128xf32, #tpu.memory_space<hbm>>
      %dma_start3A_333 = tpu.memref_squeeze %dma_start3A_332 : memref<1x8x1x8x128xf32, #tpu.memory_space<hbm>> -> memref<8x8x128xf32, #tpu.memory_space<hbm>>
      %dma_start3A_334 = tpu.memref_slice %arg9[%dma_start3A_323] : memref<2x!tpu.dma_semaphore, #tpu.memory_space<semaphore_mem>> -> memref<1x!tpu.dma_semaphore, #tpu.memory_space<semaphore_mem>>
      %dma_start3A_335 = tpu.memref_squeeze %dma_start3A_334 : memref<1x!tpu.dma_semaphore, #tpu.memory_space<semaphore_mem>> -> memref<!tpu.dma_semaphore, #tpu.memory_space<semaphore_mem>>
      %dma_start3A_336 = arith.constant 0 : i32
      %dma_start3A_337 = arith.constant 0 : i32
      %dma_start3A_338 = arith.constant 0 : i32
      %dma_start3A_339 = tpu.memref_slice %arg4[%select_n3A_319, %dma_start3A_336, %rem3A_321, %dma_start3A_337, %dma_start3A_338] : memref<50x8x128x8x128xf32, #tpu.memory_space<hbm>> -> memref<1x8x1x8x128xf32, #tpu.memory_space<hbm>>
      %dma_start3A_340 = tpu.memref_squeeze %dma_start3A_339 : memref<1x8x1x8x128xf32, #tpu.memory_space<hbm>> -> memref<8x8x128xf32, #tpu.memory_space<hbm>>
      %dma_start3A_341 = arith.constant 0 : i32
      %dma_start3A_342 = arith.constant 0 : i32
      %dma_start3A_343 = arith.constant 0 : i32
      %dma_start3A_344 = tpu.memref_slice %arg7[%dma_start3A_322, %dma_start3A_341, %dma_start3A_342, %dma_start3A_343] : memref<2x8x8x129xf32, #tpu.memory_space<vmem>> -> memref<1x8x8x128xf32, #tpu.memory_space<vmem>>
      %dma_start3A_345 = tpu.memref_squeeze %dma_start3A_344 : memref<1x8x8x128xf32, #tpu.memory_space<vmem>> -> memref<8x8x128xf32, #tpu.memory_space<vmem>>
      tpu.enqueue_dma source(%dma_start3A_345 : memref<8x8x128xf32, #tpu.memory_space<vmem>>) target(%dma_start3A_340 : memref<8x8x128xf32, #tpu.memory_space<hbm>>) target_semaphore(%dma_start3A_335 : memref<!tpu.dma_semaphore, #tpu.memory_space<semaphore_mem>>)
      %add3A_346 = arith.constant 2 : i32
      %add3A_347 = arith.addi %add3A_268, %add3A_346 : i32
      %lt3A_348 = arith.constant 200 : i32
      %lt3A_349 = arith.cmpi slt, %add3A_347, %lt3A_348 : i32
      %convert_element_type3A_350 = arith.extui %lt3A_349 : i1 to i32
      %cond3A_351 = arith.constant 0 : i32
      %cond3A_352 = arith.cmpi ne, %convert_element_type3A_350, %cond3A_351 : i32
      scf.if %cond3A_352 {
        %add3A_353 = arith.constant 2 : i32
        %add3A_354 = arith.addi %add3A_268, %add3A_353 : i32
        %dma_start3A_355 = arith.constant 1 : i32
        %dma_start3A_356 = arith.constant 1 : i32
        %dma_start3A_357 = arith.constant 0 : i32
        %dma_start3A_358 = arith.constant 0 : i32
        %dma_start3A_359 = tpu.memref_slice %arg6[%dma_start3A_355, %dma_start3A_357, %dma_start3A_358] : memref<2x128x64xf32, #tpu.memory_space<vmem>> -> memref<1x128x64xf32, #tpu.memory_space<vmem>>
        %dma_start3A_360 = tpu.memref_squeeze %dma_start3A_359 : memref<1x128x64xf32, #tpu.memory_space<vmem>> -> memref<128x64xf32, #tpu.memory_space<vmem>>
        %dma_start3A_361 = arith.constant 0 : i32
        %dma_start3A_362 = tpu.memref_slice %arg5[%add3A_354, %dma_start3A_361] : memref<200x128xi32, #tpu.memory_space<vmem>> -> memref<1x128xi32, #tpu.memory_space<vmem>>
        %dma_start3A_363 = tpu.memref_squeeze %dma_start3A_362 : memref<1x128xi32, #tpu.memory_space<vmem>> -> memref<128xi32, #tpu.memory_space<vmem>>
        %dma_start3A_364 = arith.constant 0 : i32
        %dma_start3A_365 = arith.constant 0 : i32
        %dma_start3A_366 = tpu.memref_slice %arg3[%dma_start3A_364, %dma_start3A_365] : memref<1000000x64xf32, #tpu.memory_space<hbm>> -> memref<1000000x64xf32, #tpu.memory_space<hbm>>
        %dma_start3A_367 = tpu.memref_slice %arg8[%dma_start3A_356] : memref<2x!tpu.dma_semaphore, #tpu.memory_space<semaphore_mem>> -> memref<1x!tpu.dma_semaphore, #tpu.memory_space<semaphore_mem>>
        %dma_start3A_368 = tpu.memref_squeeze %dma_start3A_367 : memref<1x!tpu.dma_semaphore, #tpu.memory_space<semaphore_mem>> -> memref<!tpu.dma_semaphore, #tpu.memory_space<semaphore_mem>>
        tpu.enqueue_indirect_dma source(%dma_start3A_366 : memref<1000000x64xf32, #tpu.memory_space<hbm>>) target(%dma_start3A_360 : memref<128x64xf32, #tpu.memory_space<vmem>>) offsets(%dma_start3A_363 : memref<128xi32, #tpu.memory_space<vmem>>) semaphore(%dma_start3A_368 : memref<!tpu.dma_semaphore, #tpu.memory_space<semaphore_mem>>)
      } else {
      }
    }
    %scan3A_79 = arith.constant 100 : i32
    %mul3A_80 = arith.constant 200 : i32
    %mul3A_81 = arith.muli %add3A, %mul3A_80 : i32
    %add3A_82 = arith.constant 198 : i32
    %add3A_83 = arith.addi %mul3A_81, %add3A_82 : i32
    %jit3A = arith.constant 128 : i32
    %div3A = arith.divsi %add3A_83, %jit3A : i32
    %sign3A = arith.constant 0 : i32
    %sign3A_84 = arith.cmpi sgt, %add3A_83, %sign3A : i32
    %sign3A_85 = arith.extui %sign3A_84 : i1 to i32
    %sign3A_86 = arith.constant 0 : i32
    %sign3A_87 = arith.cmpi slt, %add3A_83, %sign3A_86 : i32
    %sign3A_88 = arith.extui %sign3A_87 : i1 to i32
    %sign3A_89 = arith.subi %sign3A_85, %sign3A_88 : i32
    %sign3A_90 = arith.constant 0 : i32
    %sign3A_91 = arith.cmpi sgt, %jit3A, %sign3A_90 : i32
    %sign3A_92 = arith.extui %sign3A_91 : i1 to i32
    %sign3A_93 = arith.constant 0 : i32
    %sign3A_94 = arith.cmpi slt, %jit3A, %sign3A_93 : i32
    %sign3A_95 = arith.extui %sign3A_94 : i1 to i32
    %sign3A_96 = arith.subi %sign3A_92, %sign3A_95 : i32
    %ne3A = arith.cmpi ne, %sign3A_89, %sign3A_96 : i32
    %rem3A = arith.remsi %add3A_83, %jit3A : i32
    %ne3A_97 = arith.constant 0 : i32
    %ne3A_98 = arith.cmpi ne, %rem3A, %ne3A_97 : i32
    %and3A_99 = arith.andi %ne3A, %ne3A_98 : i1
    %sub3A = arith.constant 1 : i32
    %sub3A_100 = arith.subi %div3A, %sub3A : i32
    %select_n3A = arith.select %and3A_99, %sub3A_100, %div3A : i32
    %rem3A_101 = arith.constant 128 : i32
    %rem3A_102 = arith.remsi %add3A_83, %rem3A_101 : i32
    %dma_wait3A = arith.constant 0 : i32
    %dma_wait3A_103 = arith.constant 0 : i32
    %dma_wait3A_104 = arith.constant 0 : i32
    %dma_wait3A_105 = arith.constant 0 : i32
    %dma_wait3A_106 = arith.constant 0 : i32
    %dma_wait3A_107 = tpu.memref_slice %arg7[%dma_wait3A, %dma_wait3A_104, %dma_wait3A_105, %dma_wait3A_106] : memref<2x8x8x129xf32, #tpu.memory_space<vmem>> -> memref<1x8x8x128xf32, #tpu.memory_space<vmem>>
    %dma_wait3A_108 = tpu.memref_squeeze %dma_wait3A_107 : memref<1x8x8x128xf32, #tpu.memory_space<vmem>> -> memref<8x8x128xf32, #tpu.memory_space<vmem>>
    %dma_wait3A_109 = arith.constant 0 : i32
    %dma_wait3A_110 = arith.constant 0 : i32
    %dma_wait3A_111 = arith.constant 0 : i32
    %dma_wait3A_112 = tpu.memref_slice %arg4[%select_n3A, %dma_wait3A_109, %rem3A_102, %dma_wait3A_110, %dma_wait3A_111] : memref<50x8x128x8x128xf32, #tpu.memory_space<hbm>> -> memref<1x8x1x8x128xf32, #tpu.memory_space<hbm>>
    %dma_wait3A_113 = tpu.memref_squeeze %dma_wait3A_112 : memref<1x8x1x8x128xf32, #tpu.memory_space<hbm>> -> memref<8x8x128xf32, #tpu.memory_space<hbm>>
    %dma_wait3A_114 = tpu.memref_slice %arg9[%dma_wait3A_103] : memref<2x!tpu.dma_semaphore, #tpu.memory_space<semaphore_mem>> -> memref<1x!tpu.dma_semaphore, #tpu.memory_space<semaphore_mem>>
    %dma_wait3A_115 = tpu.memref_squeeze %dma_wait3A_114 : memref<1x!tpu.dma_semaphore, #tpu.memory_space<semaphore_mem>> -> memref<!tpu.dma_semaphore, #tpu.memory_space<semaphore_mem>>
    %dma_wait3A_116 = arith.constant 0 : i32
    %dma_wait3A_117 = arith.constant 0 : i32
    %dma_wait3A_118 = arith.constant 0 : i32
    %dma_wait3A_119 = tpu.memref_slice %arg4[%select_n3A, %dma_wait3A_116, %rem3A_102, %dma_wait3A_117, %dma_wait3A_118] : memref<50x8x128x8x128xf32, #tpu.memory_space<hbm>> -> memref<1x8x1x8x128xf32, #tpu.memory_space<hbm>>
    %dma_wait3A_120 = tpu.memref_squeeze %dma_wait3A_119 : memref<1x8x1x8x128xf32, #tpu.memory_space<hbm>> -> memref<8x8x128xf32, #tpu.memory_space<hbm>>
    %dma_wait3A_121 = arith.constant 0 : i32
    %dma_wait3A_122 = arith.constant 0 : i32
    %dma_wait3A_123 = arith.constant 0 : i32
    %dma_wait3A_124 = tpu.memref_slice %arg7[%dma_wait3A, %dma_wait3A_121, %dma_wait3A_122, %dma_wait3A_123] : memref<2x8x8x129xf32, #tpu.memory_space<vmem>> -> memref<1x8x8x128xf32, #tpu.memory_space<vmem>>
    %dma_wait3A_125 = tpu.memref_squeeze %dma_wait3A_124 : memref<1x8x8x128xf32, #tpu.memory_space<vmem>> -> memref<8x8x128xf32, #tpu.memory_space<vmem>>
    tpu.wait_dma2 semaphore(%dma_wait3A_115 : memref<!tpu.dma_semaphore, #tpu.memory_space<semaphore_mem>>) src(%dma_wait3A_125 : memref<8x8x128xf32, #tpu.memory_space<vmem>>) dst(%dma_wait3A_120 : memref<8x8x128xf32, #tpu.memory_space<hbm>>)
    %mul3A_126 = arith.constant 200 : i32
    %mul3A_127 = arith.muli %add3A, %mul3A_126 : i32
    %add3A_128 = arith.constant 199 : i32
    %add3A_129 = arith.addi %mul3A_127, %add3A_128 : i32
    %jit3A_130 = arith.constant 128 : i32
    %div3A_131 = arith.divsi %add3A_129, %jit3A_130 : i32
    %sign3A_132 = arith.constant 0 : i32
    %sign3A_133 = arith.cmpi sgt, %add3A_129, %sign3A_132 : i32
    %sign3A_134 = arith.extui %sign3A_133 : i1 to i32
    %sign3A_135 = arith.constant 0 : i32
    %sign3A_136 = arith.cmpi slt, %add3A_129, %sign3A_135 : i32
    %sign3A_137 = arith.extui %sign3A_136 : i1 to i32
    %sign3A_138 = arith.subi %sign3A_134, %sign3A_137 : i32
    %sign3A_139 = arith.constant 0 : i32
    %sign3A_140 = arith.cmpi sgt, %jit3A_130, %sign3A_139 : i32
    %sign3A_141 = arith.extui %sign3A_140 : i1 to i32
    %sign3A_142 = arith.constant 0 : i32
    %sign3A_143 = arith.cmpi slt, %jit3A_130, %sign3A_142 : i32
    %sign3A_144 = arith.extui %sign3A_143 : i1 to i32
    %sign3A_145 = arith.subi %sign3A_141, %sign3A_144 : i32
    %ne3A_146 = arith.cmpi ne, %sign3A_138, %sign3A_145 : i32
    %rem3A_147 = arith.remsi %add3A_129, %jit3A_130 : i32
    %ne3A_148 = arith.constant 0 : i32
    %ne3A_149 = arith.cmpi ne, %rem3A_147, %ne3A_148 : i32
    %and3A_150 = arith.andi %ne3A_146, %ne3A_149 : i1
    %sub3A_151 = arith.constant 1 : i32
    %sub3A_152 = arith.subi %div3A_131, %sub3A_151 : i32
    %select_n3A_153 = arith.select %and3A_150, %sub3A_152, %div3A_131 : i32
    %rem3A_154 = arith.constant 128 : i32
    %rem3A_155 = arith.remsi %add3A_129, %rem3A_154 : i32
    %dma_wait3A_156 = arith.constant 1 : i32
    %dma_wait3A_157 = arith.constant 1 : i32
    %dma_wait3A_158 = arith.constant 0 : i32
    %dma_wait3A_159 = arith.constant 0 : i32
    %dma_wait3A_160 = arith.constant 0 : i32
    %dma_wait3A_161 = tpu.memref_slice %arg7[%dma_wait3A_156, %dma_wait3A_158, %dma_wait3A_159, %dma_wait3A_160] : memref<2x8x8x129xf32, #tpu.memory_space<vmem>> -> memref<1x8x8x128xf32, #tpu.memory_space<vmem>>
    %dma_wait3A_162 = tpu.memref_squeeze %dma_wait3A_161 : memref<1x8x8x128xf32, #tpu.memory_space<vmem>> -> memref<8x8x128xf32, #tpu.memory_space<vmem>>
    %dma_wait3A_163 = arith.constant 0 : i32
    %dma_wait3A_164 = arith.constant 0 : i32
    %dma_wait3A_165 = arith.constant 0 : i32
    %dma_wait3A_166 = tpu.memref_slice %arg4[%select_n3A_153, %dma_wait3A_163, %rem3A_155, %dma_wait3A_164, %dma_wait3A_165] : memref<50x8x128x8x128xf32, #tpu.memory_space<hbm>> -> memref<1x8x1x8x128xf32, #tpu.memory_space<hbm>>
    %dma_wait3A_167 = tpu.memref_squeeze %dma_wait3A_166 : memref<1x8x1x8x128xf32, #tpu.memory_space<hbm>> -> memref<8x8x128xf32, #tpu.memory_space<hbm>>
    %dma_wait3A_168 = tpu.memref_slice %arg9[%dma_wait3A_157] : memref<2x!tpu.dma_semaphore, #tpu.memory_space<semaphore_mem>> -> memref<1x!tpu.dma_semaphore, #tpu.memory_space<semaphore_mem>>
    %dma_wait3A_169 = tpu.memref_squeeze %dma_wait3A_168 : memref<1x!tpu.dma_semaphore, #tpu.memory_space<semaphore_mem>> -> memref<!tpu.dma_semaphore, #tpu.memory_space<semaphore_mem>>
    %dma_wait3A_170 = arith.constant 0 : i32
    %dma_wait3A_171 = arith.constant 0 : i32
    %dma_wait3A_172 = arith.constant 0 : i32
    %dma_wait3A_173 = tpu.memref_slice %arg4[%select_n3A_153, %dma_wait3A_170, %rem3A_155, %dma_wait3A_171, %dma_wait3A_172] : memref<50x8x128x8x128xf32, #tpu.memory_space<hbm>> -> memref<1x8x1x8x128xf32, #tpu.memory_space<hbm>>
    %dma_wait3A_174 = tpu.memref_squeeze %dma_wait3A_173 : memref<1x8x1x8x128xf32, #tpu.memory_space<hbm>> -> memref<8x8x128xf32, #tpu.memory_space<hbm>>
    %dma_wait3A_175 = arith.constant 0 : i32
    %dma_wait3A_176 = arith.constant 0 : i32
    %dma_wait3A_177 = arith.constant 0 : i32
    %dma_wait3A_178 = tpu.memref_slice %arg7[%dma_wait3A_156, %dma_wait3A_175, %dma_wait3A_176, %dma_wait3A_177] : memref<2x8x8x129xf32, #tpu.memory_space<vmem>> -> memref<1x8x8x128xf32, #tpu.memory_space<vmem>>
    %dma_wait3A_179 = tpu.memref_squeeze %dma_wait3A_178 : memref<1x8x8x128xf32, #tpu.memory_space<vmem>> -> memref<8x8x128xf32, #tpu.memory_space<vmem>>
    tpu.wait_dma2 semaphore(%dma_wait3A_169 : memref<!tpu.dma_semaphore, #tpu.memory_space<semaphore_mem>>) src(%dma_wait3A_179 : memref<8x8x128xf32, #tpu.memory_space<vmem>>) dst(%dma_wait3A_174 : memref<8x8x128xf32, #tpu.memory_space<hbm>>)
    return
  }
}

</mosaic_0001>

<sc_bundles>
// kernel: kernel.3.cloned.1.call-start
scs
__scs_entry_jumppad:
0x0: {  	(pc) =	sbr.rel $0x88, $3  }
0x1: {  	(tag) =	ssettag $0x0;
	lr =	simm.s32 $0x1  }
0x2: {  	[smem:$0x3F9F] =	sst lr;
	_ =	strace $0xD0000000  }
0x3: {  	_ = 	snop  }
0x4: {  	_ = 	snop  }
0x5: {  	_ = 	snop  }
0x6: {  	_ = 	snop  }
0x7: {  	_ = 	snop  }
__scs_overlays_trampoline_lowered:
0x8: {  	[smem:$0x3FAE] =	sst s0  }
0x9: {  	[smem:$0x3FAF] =	sst s1  }
0xa: {  	[smem:$0x3FB0] =	sst s2  }
0xb: {  	[smem:$0x3FB1] =	sst s3  }
0xc: {  	[smem:$0x3FB2] =	sst s4  }
0xd: {  	[smem:$0x3FB3] =	sst s5  }
0xe: {  	[smem:$0x3FB4] =	sst s6  }
0xf: {  	[smem:$0x3FB5] =	sst s7  }
0x10: {  	[smem:$0x3FB6] =	sst s8  }
0x11: {  	[smem:$0x3FB7] =	sst s9;
	s0 =	simm.s32 @!p0 $0x0  }
0x12: {  	s1 =	sld [smem:$0x3F9D];
	s0 =	simm.s32 @p0 $0x1  }
0x13: {  	[smem:$0x3FB8] =	sst s0;
	s0 =	simm.s32 @!p1 $0x0  }
0x14: {  	s2 =	sld [smem:$0x3F9C];
	s0 =	simm.s32 @p1 $0x1  }
0x15: {  	[smem:$0x3FB9] =	sst s0;
	s0 =	simm.s32 @!p2 $0x0  }
0x16: {  	s3 =	sld [smem:$0x3FDB];
	s0 =	simm.s32 @p2 $0x1  }
0x17: {  	s4 =	simm.s32 $0x1BF5;
	[smem:$0x3FBB] =	sst s0  }
0x18: {  	s0 =	sld [smem:$0x3F9E];
	_ =	swait.ge [sflag:s4], $0x0  }
0x19: {  	s7 =	sld [smem:$0x3F9F]  }
0x1a: {  	s8 =	sadd.s32 $0xFFFFE003, lr  }
0x1b: {  	s9 =	sadd.s32 $0xFFFFFEF7, lr;
	s5 =	simm.s32 $0xFFFFFFFF;
	p2 =	slt.u32 s8, $0xFFFFF086  }
0x1c: {  	p1 =	slt.u32 s9, $0xF7A;
	s5 =	simm.s32 @!p2 $0x0  }
0x1d: {  	s5 =	simm.s32 @p1 $0x1;
	p0 =	seq.s32 s7, s2  }
0x1e: {  	s7 =	smul.u32 @!p0 $0xF7A, s2;
	p2 =	seq.s32 @!p0 s5, $0x0  }
0x1f: {  	s9 =	smul.u32 $0xF7A, s1;
	s8 =	simm.s32 @!p0 $0x1BF5;
	p2 =	por !p2, p0  }
0x20: {  	[sflag:s8] =	ssyncset.s32 @!p0 $0xFFFFF086;
	s6 =	sadd.s32 @!p0 s3, s7;
	s7 =	simm.s32 @!p0 $0x108  }
0x21: {  	s3 =	sadd.s32 s3, s9;
	s6 =	sadd.s32 @!p0 $0x88, s6;
	s7 =	simm.s32 @p2 $0x1082  }
0x22: {  	[simem:s7], [sflag:s8] =	dma.local @!p0 [hbm:s6], $0xF7A  }
0x23: {  	s9 =	sor.u32 $0xD0000000, s2;
	s6 =	simm.s32 $0x108;
	_ =	swait.ge @!p0 [sflag:s8], $0x0  }
0x24: {  	s3 =	sadd.s32 $0x88, s3;
	s6 =	simm.s32 @!p1 $0x1082;
	[sflag:s4] =	ssyncset.s32 $0xFFFFF086  }
0x25: {  	[simem:s6], [sflag:s4] =	dma.local [hbm:s3], $0xF7A  }
0x26: {  	[smem:$0x3F9F] =	sst s1;
	(tag) =	ssettag s2;
	_ =	strace s9  }
0x27: {  	s1 =	sld [smem:$0x3FAF]  }
0x28: {  	s2 =	sld [smem:$0x3FB0]  }
0x29: {  	s4 =	sld [smem:$0x3FB2]  }
0x2a: {  	p0 =	seq.s32 s5, $0x0;
	s5 =	sld [smem:$0x3FB3]  }
0x2b: {  	s6 =	sld [smem:$0x3FB4]  }
0x2c: {  	s7 =	sld [smem:$0x3FB5]  }
0x2d: {  	s3 =	simm.s32 $0x108;
	s8 =	sld [smem:$0x3FB6]  }
0x2e: {  	s3 =	simm.s32 @!p0 $0x1082;
	s9 =	sld [smem:$0x3FB7]  }
0x2f: {  	lr =	sadd.s32 s0, s3;
	s0 =	sld [smem:$0x3FAE]  }
0x30: {  	s3 =	sld [smem:$0x3FB1]  }
0x31: {  	[smem:$0x3FBA] =	sst s10  }
0x32: {  	s10 =	sld [smem:$0x3FB8];
	_ =	sdelay $0x3  }
0x33: {  	p0 =	seq.s32 s10, $0x1;
	s10 =	sld [smem:$0x3FBA];
	_ =	sdelay $0x3  }
0x34: {  	[smem:$0x3FBA] =	sst s10  }
0x35: {  	s10 =	sld [smem:$0x3FB9];
	_ =	sdelay $0x3  }
0x36: {  	p1 =	seq.s32 s10, $0x1;
	s10 =	sld [smem:$0x3FBA];
	_ =	sdelay $0x3  }
0x37: {  	[smem:$0x3FBA] =	sst s10  }
0x38: {  	s10 =	sld [smem:$0x3FBB]  }
0x39: {  	_ = 	snop;
	(pc) =	sbr.ind lr, $3  }
0x3a: {  	_ = 	snop  }
0x3b: {  	_ = 	snop  }
0x3c: {  	p2 =	seq.s32 s10, $0x1;
	s10 =	sld [smem:$0x3FBA]  }
0x3d: {  	_ =	shalt  }
0x3e: {  	_ =	shalt  }
0x3f: {  	_ =	shalt  }
0x40: {  	_ =	shalt  }
0x41: {  	_ =	shalt  }
0x42: {  	_ =	shalt  }
0x43: {  	_ =	shalt  }
0x44: {  	_ =	shalt  }
0x45: {  	_ =	shalt  }
0x46: {  	_ =	shalt  }
0x47: {  	_ =	shalt  }
0x48: {  	_ =	shalt  }
0x49: {  	_ =	shalt  }
0x4a: {  	_ =	shalt  }
0x4b: {  	_ =	shalt  }
0x4c: {  	_ =	shalt  }
0x4d: {  	_ =	shalt  }
0x4e: {  	_ =	shalt  }
0x4f: {  	_ =	shalt  }
0x50: {  	_ =	shalt  }
0x51: {  	_ =	shalt  }
0x52: {  	_ =	shalt  }
0x53: {  	_ =	shalt  }
0x54: {  	_ =	shalt  }
0x55: {  	_ =	shalt  }
0x56: {  	_ =	shalt  }
0x57: {  	_ =	shalt  }
0x58: {  	_ =	shalt  }
0x59: {  	_ =	shalt  }
0x5a: {  	_ =	shalt  }
0x5b: {  	_ =	shalt  }
0x5c: {  	_ =	shalt  }
0x5d: {  	_ =	shalt  }
0x5e: {  	_ =	shalt  }
0x5f: {  	_ =	shalt  }
0x60: {  	_ =	shalt  }
0x61: {  	_ =	shalt  }
0x62: {  	_ =	shalt  }
0x63: {  	_ =	shalt  }
0x64: {  	_ =	shalt  }
0x65: {  	_ =	shalt  }
0x66: {  	_ =	shalt  }
0x67: {  	_ =	shalt  }
0x68: {  	_ =	shalt  }
0x69: {  	_ =	shalt  }
0x6a: {  	_ =	shalt  }
0x6b: {  	_ =	shalt  }
0x6c: {  	_ =	shalt  }
0x6d: {  	_ =	shalt  }
0x6e: {  	_ =	shalt  }
0x6f: {  	_ =	shalt  }
0x70: {  	_ =	shalt  }
0x71: {  	_ =	shalt  }
0x72: {  	_ =	shalt  }
0x73: {  	_ =	shalt  }
0x74: {  	_ =	shalt  }
0x75: {  	_ =	shalt  }
0x76: {  	_ =	shalt  }
0x77: {  	_ =	shalt  }
0x78: {  	_ =	shalt  }
0x79: {  	_ =	shalt  }
0x7a: {  	_ =	shalt  }
0x7b: {  	_ =	shalt  }
0x7c: {  	_ =	shalt  }
0x7d: {  	_ =	shalt  }
0x7e: {  	_ =	shalt  }
0x7f: {  	_ =	shalt  }
0x80: {  	_ =	shalt  }
0x81: {  	_ =	shalt  }
0x82: {  	_ =	shalt  }
0x83: {  	_ =	shalt  }
0x84: {  	_ =	shalt  }
0x85: {  	_ =	shalt  }
0x86: {  	_ =	shalt  }
0x87: {  	_ =	shalt  }
.Lfunc_end0:
.L_simem_size_0:
called_computation_lowered:
.L_overlay_start_0:
0x88: {  	s2 =	sld [smem:$0x3FD9]  }
0x89: {  	s3 =	sld [smem:$0x3FFE];
	_ =	sdelay $0x1  }
0x8a: {  	s1 =	srdreg.scid  }
0x8b: {  	s0 =	sand.u32 $0x1, s1  }
0x8c: {  	s17 =	sshll.u32 s0, $0xA;
	s2 =	sadd.s32 s3, s2  }
0x8d: {  	s2 =	sadd.s32 s2, s17  }
0x8e: {  	[smem:$0x3FC6] =	sst s2  }
0x8f: {  	_ = 	snop  }
0x90: {  	s2 =	sld [smem:$0x3FD0];
	(tm) =	ssettm $0x1  }
0x91: {  	s18 =	sld [smem:$0x3FFB];
	_ =	sdelay $0x3  }
0x92: {  	_ =	strace s18  }
0x93: {  	s3 =	sld [smem:$0x3FFC];
	_ =	sdelay $0x3  }
0x94: {  	_ =	strace s3  }
0x95: {  	s3 =	sld [smem:$0x3FFD];
	_ =	sdelay $0x3  }
0x96: {  	_ =	strace s3  }
0x97: {  	_ =	strace $0x8FFFFFFF  }
0x98: {  	s19 =	sld [smem:$0x3FDB];
	_ =	sdelay $0x1  }
0x99: {  	s4 =	simm.s32 $_scs_section_size  }
0x9a: {  	s5 =	simm.s32 $_size__tile_overlayer_lowered;
	s6 =	simm.s32 $_tile_overlayer_lowered  }
0x9b: {  	s22 =	simm.s32 $0x1BFF;
	s21 =	sshll.u32 s6, $0x1;
	s3 =	sadd.s32 s4, s19  }
0x9c: {  	s7 =	simm.s32 $0x0;
	s20 =	sshll.u32 s5, $0x1;
	s5 =	sadd.s32 s21, s3  }
0x9d: {  	[timem:s7], [sflag:s22] =	dma.local [hbm:s5], s20  }
0x9e: {  	_ =	swait.ge [sflag:s22], s20  }
0x9f: {  	s4 =	ssub.s32 $0x0, s20;
	[sflag:s22] =	ssyncset.done $0x0  }
0xa0: {  	[sflag:s22] =	ssyncadd.s32 s4;
	_ =	sdelay $0x1  }
0xa1: {  	s23 =	simm.s32 $0x1B8B  }
0xa2: {  	_ =	swait.ge [sflag:s23], $0x1  }
0xa3: {  	[sflag:s23] =	ssyncset.done $0x0  }
0xa4: {  	s25 =	simm.s32 $0x1B8E;
	s24 =	sld [smem:$0x3FFE];
	[sflag:s23] =	ssyncadd.s32 $0xFFFFFFFF  }
0xa5: {  	s26 =	simm.s32 $execute0_lowered;
	[smem:$0x3FD2] =	sst s25  }
0xa6: {  	s5 =	sshll.u32 s26, $0x1;
	_ =	strace $0x80000046;
	[dreg:$0x1] =	wrdreg $0xFFFFFFFF  }
0xa7: {  	s28 =	simm.s32 $_size_execute0_lowered;
	s3 =	sadd.s32 s3, s5;
	[dreg:$0x0] =	wrdreg $0x0  }
0xa8: {  	s5 =	sshll.u32 s28, $0x1;
	[dreg:$0x2] =	wrdreg s3  }
0xa9: {  	[dreg:$0x3] =	wrdreg s5  }
0xaa: {  	[dreg:$0x4] =	wrdreg $0xC0  }
0xab: {  	_ =	task [dreg:s7], $0x5FFFF  }
0xac: {  	[dreg:$0x1] =	wrdreg $0xFFFFFFFF  }
0xad: {  	[dreg:$0x0] =	wrdreg $0x60  }
0xae: {  	[dreg:$0x2] =	wrdreg s24  }
0xaf: {  	[dreg:$0x3] =	wrdreg s2  }
0xb0: {  	[dreg:$0x4] =	wrdreg $0x9  }
0xb1: {  	_ =	task.clear_ibuf [dreg:s7], $0x5FFFF;
	_ =	strace $0x90000046  }
0xb2: {  	s29 =	simm.s32 $0x9;
	_ =	strace $0x80000048  }
0xb3: {  	_ =	swait.ge [sflag:s29], $0x1  }
0xb4: {  	[sflag:s29] =	ssyncadd.s32 $0xFFFFFFFF  }
0xb5: {  	_ =	strace $0x90000048  }
0xb6: {  	_ =	sfence  }
0xb7: {  	s30 =	sld [smem:$0x0];
	_ =	sdelay $0x2  }
0xb8: {  	s31 =	sshll.u32 s1, $0xD;
	s1 =	sshrl.u32 s1, $0x2  }
0xb9: {  	s3 =	sand.u32 $0x4000, s31;
	s1 =	sadd.s32 s1, s30  }
0xba: {  	s0 =	sor.u32 s3, s0;
	s1 =	sshll.u32 s1, $0x11  }
0xbb: {  	s0 =	sor.u32 s1, s0  }
0xbc: {  	s0 =	sadd.s32 $0x8F2B, s0  }
0xbd: {  	[sflag:s0] =	ssyncadd.remote.s32 $0x1  }
0xbe: {  	_ =	sfence.sel $0xFFFF  }
0xbf: {  	[dreg:$0x0] =	wrdreg $0xFFFFFFFF;
	(pc) =	sbr.abs _section_cstart, $3  }
0xc0: {  	[dreg:$0x1] =	wrdreg $0xFFFFFFFF  }
0xc1: {  	_ =	task.clear_ibuf [dreg:s7], $0x2FFFF;
	_ =	strace $0x9FFFFFFF  }
0xc2: {  	(tm) =	ssettm $0x7FFFFFFF  }
0xc3: {  	_ =	shalt  }
tec
execute0_lowered:
.L_overlay_start_1:
0x0: {  	(tag) =	ssettag $0x1  }
0x1: {  	s4 =	rddreg [dreg:$0x0];
	s1 =	srdreg.scid  }
0x2: {  	s0 =	stileid.u32;
	s2 =	rddreg [dreg:$0x1];
	s3 =	simm.s32 $0x0  }
0x3: {  	s9 =	simm.s32 $0x80;
	s10 =	simm.s32 $0x6400;
	s11 =	simm.s32 $0x8400  }
0x4: {  	s12 =	simm.s32 $0x1;
	s13 =	simm.s32 $0xA400;
	s14 =	simm.s32 $0x2  }
0x5: {  	s15 =	simm.s32 $0xC600;
	s16 =	simm.s32 $0x3;
	s17 =	simm.s32 $0x4  }
0x6: {  	s18 =	simm.s32 $0x0;
	s5 =	sand.u32 $0x1, s1;
	s6 =	sshll.u32 s0, $0x1  }
.Ltmp0:
0x7: {  	s1 =	rddreg [dreg:$0x2];
	s6 =	sor.u32 s5, s6;
	(pc) =	sbr.rel .LBB2_1-.Ltmp0, $4  }
0x8: {  	v0 =	vlaneseq.u32;
	[smem:$0x7FF] =	sst s3;
	s5 =	ssub.s32 $0x2, s5;
	s7 =	smul.u32 $0xC80, s6  }
0x9: {  	v0 =	vmul.u32 $0x88, v0;
	_ =	strace $0x80000047;
	s8 =	sshrl.u32 s5, $0x1;
	s6 =	smul.u32 $0xC8, s6  }
0xa: {  	s8 =	ssub.s32 s5, s8;
	s7 =	sadd.s32 s7, s4;
	s4 =	sadd.s32 $0xF42A00, s4  }
0xb: {  	v1 =	vadd.s32 $0x880, v0;
	v2 =	vadd.s32 $0x1100, v0;
	v3 =	vadd.s32 $0x1980, v0;
	s5 =	sadd.s32 $0x600, s7;
	s7 =	smax.u32 s8, $0x1;
	s8 =	simm.s32 $0x5  }
.LBB2_12:
0xc: {  	s18 =	sadd.s32 $0x1, s18  }
0xd: {  	_ =	swait.ge [sflag:s16], $0x2000;
	p0 =	sne.s32 s18, s7  }
.Ltmp1:
0xe: {  	[sflag:s16] =	ssyncset.done $0x0;
	(pc) =	sbr.rel @!p0 .LBB2_13-.Ltmp1, $4  }
0xf: {  	[sflag:s16] =	ssyncadd.s32 $0xFFFFE000  }
0x10: {  	_ =	swait.ge [sflag:s17], $0x2000  }
0x11: {  	[sflag:s17] =	ssyncset.done $0x0  }
0x12: {  	[sflag:s17] =	ssyncadd.s32 $0xFFFFE000  }
.LBB2_1:
0x13: {  	[tilespmem:s3], [sflag:$0x5] =	stream.linear.gather [hbm4b:s5+s3], $0x6400, $0x38;
	[tilespmem:$0xE800] =	vst v63  }
0x14: {  	_ =	swait.ge [sflag:s8], $0x6400  }
0x15: {  	[sflag:s8] =	ssyncset.done $0x0  }
0x16: {  	[sflag:s8] =	ssyncadd.s32 $0xFFFF9C00  }
0x17: {  	[tilespmem:s10], [sflag:$0x1] =	stream.indirect.gather [hbm4b:s4+s9], $0x40, s3, s9, $0xb8;
	[tilespmem:$0xE800] =	vst v63  }
0x18: {  	s19 =	simm.s32 $0x0  }
0x19: {  	[tilespmem:s11], [sflag:$0x2] =	stream.indirect.gather [hbm4b:s4+s9], $0x40, s9, s9, $0xb8;
	[tilespmem:$0xE800] =	vst v63  }
.LBB2_2:
0x1a: {  	_ =	swait.ge [sflag:s12], $0x2000  }
0x1b: {  	p0 =	seq.s32 s19, $0x0;
	[sflag:s12] =	ssyncset.done $0x0  }
0x1c: {  	s20 =	simm.s32 @!p0 $0x3;
	[sflag:s12] =	ssyncadd.s32 $0xFFFFE000  }
0x1d: {  	_ =	swait.ge @!p0 [sflag:s20], $0x2000  }
0x1e: {  	[sflag:s20] =	ssyncset.done @!p0 $0x0  }
0x1f: {  	s28 =	simm.s32 $0x0;
	s21 =	simm.s32 $0x6480;
	[sflag:s20] =	ssyncadd.s32 @!p0 $0xFFFFE000  }
0x20: {  	v4 =	vmov s28;
	v5 =	vld [tilespmem:s21+$0xFFFFFF80]  }
0x21: {  	v4 =	vand.u32 $0x7C, v4  }
0x22: {  	v6 =	vadd.s32 v0, v4;
	_ =	sdelay $0x2  }
0x23: {  	v5 =	vmul.f32 $8.000000000e+00, v5;
	_ =	sdelay $0x1  }
0x24: {  	[tilespmem:v6+s13+$0x0] =	vst.idx.msk $0xffff, v5  }
0x25: {  	v5 =	vld [tilespmem:s21+$0xFFFFFF90];
	_ =	sdelay $0x1  }
0x26: {  	v6 =	vadd.s32 v1, v4;
	_ =	sdelay $0x2  }
0x27: {  	v5 =	vmul.f32 $8.000000000e+00, v5;
	_ =	sdelay $0x1  }
0x28: {  	[tilespmem:v6+s13+$0x0] =	vst.idx.msk $0xffff, v5  }
0x29: {  	v5 =	vld [tilespmem:s21+$0xFFFFFFA0];
	_ =	sdelay $0x1  }
0x2a: {  	v6 =	vadd.s32 v2, v4;
	_ =	sdelay $0x2  }
0x2b: {  	v5 =	vmul.f32 $8.000000000e+00, v5;
	_ =	sdelay $0x1  }
0x2c: {  	[tilespmem:v6+s13+$0x0] =	vst.idx.msk $0xffff, v5  }
0x2d: {  	v5 =	vld [tilespmem:s21+$0xFFFFFFB0];
	_ =	sdelay $0x1  }
0x2e: {  	v4 =	vadd.s32 v3, v4;
	_ =	sdelay $0x2  }
0x2f: {  	v5 =	vmul.f32 $8.000000000e+00, v5;
	_ =	sdelay $0x1  }
0x30: {  	s29 =	simm.s32 $0x1;
	[tilespmem:v4+s13+$0x0] =	vst.idx.msk $0xffff, v5  }
0x31: {  	v4 =	vmov s29;
	v5 =	vld [tilespmem:s21+$0xFFFFFFC0]  }
0x32: {  	v4 =	vand.u32 $0x7D, v4  }
0x33: {  	v6 =	vadd.s32 v0, v4;
	_ =	sdelay $0x2  }
0x34: {  	v5 =	vmul.f32 $8.000000000e+00, v5;
	_ =	sdelay $0x1  }
0x35: {  	[tilespmem:v6+s13+$0x0] =	vst.idx.msk $0xffff, v5  }
0x36: {  	v5 =	vld [tilespmem:s21+$0xFFFFFFD0];
	_ =	sdelay $0x1  }
0x37: {  	v6 =	vadd.s32 v1, v4;
	_ =	sdelay $0x2  }
0x38: {  	v5 =	vmul.f32 $8.000000000e+00, v5;
	_ =	sdelay $0x1  }
0x39: {  	[tilespmem:v6+s13+$0x0] =	vst.idx.msk $0xffff, v5  }
0x3a: {  	v5 =	vld [tilespmem:s21+$0xFFFFFFE0];
	_ =	sdelay $0x1  }
0x3b: {  	v6 =	vadd.s32 v2, v4;
	_ =	sdelay $0x2  }
0x3c: {  	v5 =	vmul.f32 $8.000000000e+00, v5;
	_ =	sdelay $0x1  }
0x3d: {  	[tilespmem:v6+s13+$0x0] =	vst.idx.msk $0xffff, v5  }
0x3e: {  	v5 =	vld [tilespmem:s21+$0xFFFFFFF0];
	_ =	sdelay $0x1  }
0x3f: {  	v4 =	vadd.s32 v3, v4;
	_ =	sdelay $0x2  }
0x40: {  	v5 =	vmul.f32 $8.000000000e+00, v5;
	_ =	sdelay $0x1  }
0x41: {  	s30 =	simm.s32 $0x2;
	[tilespmem:v4+s13+$0x0] =	vst.idx.msk $0xffff, v5  }
0x42: {  	v4 =	vmov s30;
	v5 =	vld [tilespmem:s21+$0x0]  }
0x43: {  	v4 =	vand.u32 $0x7E, v4  }
0x44: {  	v6 =	vadd.s32 v0, v4;
	_ =	sdelay $0x2  }
0x45: {  	v5 =	vmul.f32 $8.000000000e+00, v5;
	_ =	sdelay $0x1  }
0x46: {  	[tilespmem:v6+s13+$0x0] =	vst.idx.msk $0xffff, v5  }
0x47: {  	v5 =	vld [tilespmem:s21+$0x10];
	_ =	sdelay $0x1  }
0x48: {  	v6 =	vadd.s32 v1, v4;
	_ =	sdelay $0x2  }
0x49: {  	v5 =	vmul.f32 $8.000000000e+00, v5;
	_ =	sdelay $0x1  }
0x4a: {  	[tilespmem:v6+s13+$0x0] =	vst.idx.msk $0xffff, v5  }
0x4b: {  	v5 =	vld [tilespmem:s21+$0x20];
	_ =	sdelay $0x1  }
0x4c: {  	v6 =	vadd.s32 v2, v4;
	_ =	sdelay $0x2  }
0x4d: {  	v5 =	vmul.f32 $8.000000000e+00, v5;
	_ =	sdelay $0x1  }
0x4e: {  	[tilespmem:v6+s13+$0x0] =	vst.idx.msk $0xffff, v5  }
0x4f: {  	v5 =	vld [tilespmem:s21+$0x30];
	_ =	sdelay $0x1  }
0x50: {  	v4 =	vadd.s32 v3, v4;
	_ =	sdelay $0x2  }
0x51: {  	v5 =	vmul.f32 $8.000000000e+00, v5;
	_ =	sdelay $0x1  }
0x52: {  	s31 =	simm.s32 $0x3;
	[tilespmem:v4+s13+$0x0] =	vst.idx.msk $0xffff, v5  }
0x53: {  	v4 =	vmov s31;
	v5 =	vld [tilespmem:s21+$0x40]  }
0x54: {  	v4 =	vand.u32 $0x7F, v4  }
0x55: {  	v6 =	vadd.s32 v0, v4;
	_ =	sdelay $0x2  }
0x56: {  	v5 =	vmul.f32 $8.000000000e+00, v5;
	_ =	sdelay $0x1  }
0x57: {  	[tilespmem:v6+s13+$0x0] =	vst.idx.msk $0xffff, v5  }
0x58: {  	v5 =	vld [tilespmem:s21+$0x50];
	_ =	sdelay $0x1  }
0x59: {  	v6 =	vadd.s32 v1, v4;
	_ =	sdelay $0x2  }
0x5a: {  	v5 =	vmul.f32 $8.000000000e+00, v5;
	_ =	sdelay $0x1  }
0x5b: {  	[tilespmem:v6+s13+$0x0] =	vst.idx.msk $0xffff, v5  }
0x5c: {  	v5 =	vld [tilespmem:s21+$0x60];
	_ =	sdelay $0x1  }
0x5d: {  	v6 =	vadd.s32 v2, v4;
	_ =	sdelay $0x2  }
0x5e: {  	v5 =	vmul.f32 $8.000000000e+00, v5;
	_ =	sdelay $0x1  }
0x5f: {  	[tilespmem:v6+s13+$0x0] =	vst.idx.msk $0xffff, v5  }
0x60: {  	v5 =	vld [tilespmem:s21+$0x70];
	_ =	sdelay $0x1  }
0x61: {  	v4 =	vadd.s32 v3, v4;
	_ =	sdelay $0x2  }
0x62: {  	s22 =	simm.s32 $0x4;
	s20 =	sshll.u32 s19, $0x1;
	v5 =	vmul.f32 $8.000000000e+00, v5  }
.LBB2_3:
0x63: {  	p1 =	sne.s32 s22, $0x7C  }
0x64: {  	s21 =	sadd.s32 $0x100, s21;
	s23 =	smov.u32 s22;
	s22 =	sadd.s32 $0x4, s22;
	[tilespmem:v4+s13+$0x0] =	vst.idx.msk $0xffff, v5  }
0x65: {  	v4 =	vmov s23;
	v5 =	vld [tilespmem:s21+$0xFFFFFF80]  }
0x66: {  	v4 =	vand.u32 $0x7C, v4  }
0x67: {  	v6 =	vadd.s32 v0, v4;
	_ =	sdelay $0x2  }
0x68: {  	v5 =	vmul.f32 $8.000000000e+00, v5;
	_ =	sdelay $0x1  }
0x69: {  	[tilespmem:v6+s13+$0x0] =	vst.idx.msk $0xffff, v5  }
0x6a: {  	v5 =	vld [tilespmem:s21+$0xFFFFFF90];
	_ =	sdelay $0x1  }
0x6b: {  	v6 =	vadd.s32 v1, v4;
	_ =	sdelay $0x2  }
0x6c: {  	v5 =	vmul.f32 $8.000000000e+00, v5;
	_ =	sdelay $0x1  }
0x6d: {  	[tilespmem:v6+s13+$0x0] =	vst.idx.msk $0xffff, v5  }
0x6e: {  	v5 =	vld [tilespmem:s21+$0xFFFFFFA0];
	_ =	sdelay $0x1  }
0x6f: {  	v6 =	vadd.s32 v2, v4;
	_ =	sdelay $0x2  }
0x70: {  	v5 =	vmul.f32 $8.000000000e+00, v5;
	_ =	sdelay $0x1  }
0x71: {  	[tilespmem:v6+s13+$0x0] =	vst.idx.msk $0xffff, v5  }
0x72: {  	v5 =	vld [tilespmem:s21+$0xFFFFFFB0];
	_ =	sdelay $0x1  }
0x73: {  	v4 =	vadd.s32 v3, v4;
	_ =	sdelay $0x2  }
0x74: {  	v5 =	vmul.f32 $8.000000000e+00, v5;
	_ =	sdelay $0x1  }
0x75: {  	s24 =	sadd.s32 $0x1, s23;
	[tilespmem:v4+s13+$0x0] =	vst.idx.msk $0xffff, v5  }
0x76: {  	v4 =	vmov s24;
	v5 =	vld [tilespmem:s21+$0xFFFFFFC0]  }
0x77: {  	v4 =	vand.u32 $0x7D, v4  }
0x78: {  	v6 =	vadd.s32 v0, v4;
	_ =	sdelay $0x2  }
0x79: {  	v5 =	vmul.f32 $8.000000000e+00, v5;
	_ =	sdelay $0x1  }
0x7a: {  	[tilespmem:v6+s13+$0x0] =	vst.idx.msk $0xffff, v5  }
0x7b: {  	v5 =	vld [tilespmem:s21+$0xFFFFFFD0];
	_ =	sdelay $0x1  }
0x7c: {  	v6 =	vadd.s32 v1, v4;
	_ =	sdelay $0x2  }
0x7d: {  	v5 =	vmul.f32 $8.000000000e+00, v5;
	_ =	sdelay $0x1  }
0x7e: {  	[tilespmem:v6+s13+$0x0] =	vst.idx.msk $0xffff, v5  }
0x7f: {  	v5 =	vld [tilespmem:s21+$0xFFFFFFE0];
	_ =	sdelay $0x1  }
0x80: {  	v6 =	vadd.s32 v2, v4;
	_ =	sdelay $0x2  }
0x81: {  	v5 =	vmul.f32 $8.000000000e+00, v5;
	_ =	sdelay $0x1  }
0x82: {  	[tilespmem:v6+s13+$0x0] =	vst.idx.msk $0xffff, v5  }
0x83: {  	v5 =	vld [tilespmem:s21+$0xFFFFFFF0];
	_ =	sdelay $0x1  }
0x84: {  	v4 =	vadd.s32 v3, v4;
	_ =	sdelay $0x2  }
0x85: {  	v5 =	vmul.f32 $8.000000000e+00, v5;
	_ =	sdelay $0x1  }
0x86: {  	s24 =	sadd.s32 $0x2, s23;
	[tilespmem:v4+s13+$0x0] =	vst.idx.msk $0xffff, v5  }
0x87: {  	v4 =	vmov s24;
	v5 =	vld [tilespmem:s21+$0x0]  }
0x88: {  	v4 =	vand.u32 $0x7E, v4  }
0x89: {  	v6 =	vadd.s32 v0, v4;
	_ =	sdelay $0x2  }
0x8a: {  	v5 =	vmul.f32 $8.000000000e+00, v5;
	_ =	sdelay $0x1  }
0x8b: {  	[tilespmem:v6+s13+$0x0] =	vst.idx.msk $0xffff, v5  }
0x8c: {  	v5 =	vld [tilespmem:s21+$0x10];
	_ =	sdelay $0x1  }
0x8d: {  	v6 =	vadd.s32 v1, v4;
	_ =	sdelay $0x2  }
0x8e: {  	v5 =	vmul.f32 $8.000000000e+00, v5;
	_ =	sdelay $0x1  }
0x8f: {  	[tilespmem:v6+s13+$0x0] =	vst.idx.msk $0xffff, v5  }
0x90: {  	v5 =	vld [tilespmem:s21+$0x20];
	_ =	sdelay $0x1  }
0x91: {  	v6 =	vadd.s32 v2, v4;
	_ =	sdelay $0x2  }
0x92: {  	v5 =	vmul.f32 $8.000000000e+00, v5;
	_ =	sdelay $0x1  }
0x93: {  	[tilespmem:v6+s13+$0x0] =	vst.idx.msk $0xffff, v5  }
0x94: {  	v5 =	vld [tilespmem:s21+$0x30];
	_ =	sdelay $0x1  }
0x95: {  	v4 =	vadd.s32 v3, v4;
	_ =	sdelay $0x2  }
0x96: {  	v5 =	vmul.f32 $8.000000000e+00, v5;
	_ =	sdelay $0x1  }
0x97: {  	s23 =	sadd.s32 $0x3, s23;
	[tilespmem:v4+s13+$0x0] =	vst.idx.msk $0xffff, v5  }
0x98: {  	v4 =	vmov s23;
	v5 =	vld [tilespmem:s21+$0x40]  }
0x99: {  	v4 =	vand.u32 $0x7F, v4  }
0x9a: {  	v6 =	vadd.s32 v0, v4;
	_ =	sdelay $0x2  }
0x9b: {  	v5 =	vmul.f32 $8.000000000e+00, v5;
	_ =	sdelay $0x1  }
0x9c: {  	[tilespmem:v6+s13+$0x0] =	vst.idx.msk $0xffff, v5  }
0x9d: {  	v5 =	vld [tilespmem:s21+$0x50];
	_ =	sdelay $0x1  }
0x9e: {  	v6 =	vadd.s32 v1, v4;
	_ =	sdelay $0x2  }
0x9f: {  	v5 =	vmul.f32 $8.000000000e+00, v5;
	_ =	sdelay $0x1  }
0xa0: {  	[tilespmem:v6+s13+$0x0] =	vst.idx.msk $0xffff, v5  }
0xa1: {  	v5 =	vld [tilespmem:s21+$0x60];
	_ =	sdelay $0x1  }
0xa2: {  	v6 =	vadd.s32 v2, v4;
	_ =	sdelay $0x2  }
0xa3: {  	v5 =	vmul.f32 $8.000000000e+00, v5;
	_ =	sdelay $0x1  }
0xa4: {  	[tilespmem:v6+s13+$0x0] =	vst.idx.msk $0xffff, v5  }
0xa5: {  	v5 =	vld [tilespmem:s21+$0x70]  }
.Ltmp2:
0xa6: {  	(pc) =	sbr.rel @p1 .LBB2_3-.Ltmp2, $2  }
0xa7: {  	v4 =	vadd.s32 v3, v4;
	_ =	sdelay $0x2  }
0xa8: {  	v5 =	vmul.f32 $8.000000000e+00, v5  }
0xa9: {  	s21 =	sadd.s32 s6, s20  }
0xaa: {  	s22 =	sshll.u32 s21, $0x7  }
0xab: {  	s21 =	sshll.u32 s21, $0xA;
	s22 =	sand.u32 $0x3F00, s22  }
0xac: {  	s21 =	sand.u32 $0xFFE0000, s21;
	s22 =	sadd.s32 s2, s22  }
0xad: {  	s28 =	simm.s32 $0xA400;
	[tilespmem:v4+s13+$0x0] =	vst.idx.msk $0xffff, v5;
	s22 =	sadd.s32 s21, s22  }
0xae: {  	[hbm4b:s22+s3] =	stream.linear.scatter [tilespmem:s28], [sflag:$0x3], $0x80, $0x38;
	[tilespmem:$0xE800] =	vst v63  }
0xaf: {  	s29 =	simm.s32 $0xA488;
	s23 =	sadd.s32 $0x10, s22  }
0xb0: {  	[hbm4b:s23+s3] =	stream.linear.scatter [tilespmem:s29], [sflag:$0x3], $0x80, $0x38;
	[tilespmem:$0xE800] =	vst v63  }
0xb1: {  	s30 =	simm.s32 $0xA510;
	s25 =	simm.s32 $0xA620;
	s31 =	sadd.s32 $0x20, s22  }
0xb2: {  	[hbm4b:s31+s3] =	stream.linear.scatter [tilespmem:s30], [sflag:$0x3], $0x80, $0x38;
	[tilespmem:$0xE800] =	vst v63  }
0xb3: {  	s21 =	simm.s32 $0x440;
	s24 =	sadd.s32 $0x30, s22;
	s23 =	simm.s32 $0xA598  }
0xb4: {  	[hbm4b:s24+s3] =	stream.linear.scatter [tilespmem:s23], [sflag:$0x3], $0x80, $0x38;
	[tilespmem:$0xE800] =	vst v63  }
0xb5: {  	s26 =	sadd.s32 $0x40, s22;
	s28 =	simm.s32 $0xA6A8;
	s29 =	sadd.s32 $0x50, s22  }
0xb6: {  	[hbm4b:s26+s3] =	stream.linear.scatter [tilespmem:s25], [sflag:$0x3], $0x80, $0x38;
	[tilespmem:$0xE800] =	vst v63  }
0xb7: {  	s30 =	simm.s32 $0xA730;
	s31 =	sadd.s32 $0x60, s22;
	s23 =	simm.s32 $0x2200  }
0xb8: {  	[hbm4b:s29+s3] =	stream.linear.scatter [tilespmem:s28], [sflag:$0x3], $0x80, $0x38;
	[tilespmem:$0xE800] =	vst v63  }
0xb9: {  	s24 =	simm.s32 $0xA7B8;
	s25 =	sadd.s32 $0x70, s22;
	s22 =	sadd.s32 $0x4000, s22  }
0xba: {  	[hbm4b:s31+s3] =	stream.linear.scatter [tilespmem:s30], [sflag:$0x3], $0x80, $0x38;
	[tilespmem:$0xE800] =	vst v63  }
.LBB2_5:
0xbb: {  	[hbm4b:s25+s3] =	stream.linear.scatter [tilespmem:s24], [sflag:$0x3], $0x80, $0x38;
	[tilespmem:$0xE800] =	vst v63  }
0xbc: {  	s24 =	smov.u32 s21;
	s21 =	smov.u32 s23  }
0xbd: {  	s26 =	sadd.s32 $0x1100, s23;
	s21 =	sshra.s32 s21, $0x2;
	s25 =	sadd.s32 $0xA400, s24  }
0xbe: {  	[hbm4b:s22+s3] =	stream.linear.scatter [tilespmem:s25], [sflag:$0x3], $0x80, $0x38;
	[tilespmem:$0xE800] =	vst v63  }
0xbf: {  	p1 =	sne.s32 s23, $0x7700;
	s23 =	sadd.s32 $0xA488, s24;
	s25 =	sadd.s32 $0x10, s22  }
0xc0: {  	[hbm4b:s25+s3] =	stream.linear.scatter [tilespmem:s23], [sflag:$0x3], $0x80, $0x38;
	[tilespmem:$0xE800] =	vst v63  }
0xc1: {  	s23 =	sadd.s32 $0xA510, s24;
	s25 =	sadd.s32 $0x20, s22  }
0xc2: {  	[hbm4b:s25+s3] =	stream.linear.scatter [tilespmem:s23], [sflag:$0x3], $0x80, $0x38;
	[tilespmem:$0xE800] =	vst v63  }
0xc3: {  	s23 =	sadd.s32 $0xA598, s24;
	s25 =	sadd.s32 $0x30, s22  }
0xc4: {  	[hbm4b:s25+s3] =	stream.linear.scatter [tilespmem:s23], [sflag:$0x3], $0x80, $0x38;
	[tilespmem:$0xE800] =	vst v63  }
0xc5: {  	s23 =	sadd.s32 $0xA620, s24;
	s25 =	sadd.s32 $0x40, s22  }
0xc6: {  	[hbm4b:s25+s3] =	stream.linear.scatter [tilespmem:s23], [sflag:$0x3], $0x80, $0x38;
	[tilespmem:$0xE800] =	vst v63  }
.Ltmp3:
0xc7: {  	s23 =	sadd.s32 $0xA6A8, s24;
	s25 =	sadd.s32 $0x50, s22;
	(pc) =	sbr.rel @p1 .LBB2_5-.Ltmp3, $4  }
0xc8: {  	[hbm4b:s25+s3] =	stream.linear.scatter [tilespmem:s23], [sflag:$0x3], $0x80, $0x38;
	[tilespmem:$0xE800] =	vst v63  }
0xc9: {  	s23 =	sadd.s32 $0xA730, s24;
	s25 =	sadd.s32 $0x60, s22;
	s24 =	sadd.s32 $0xA7B8, s24  }
0xca: {  	[hbm4b:s25+s3] =	stream.linear.scatter [tilespmem:s23], [sflag:$0x3], $0x80, $0x38;
	[tilespmem:$0xE800] =	vst v63  }
0xcb: {  	s25 =	sadd.s32 $0x70, s22;
	s22 =	sadd.s32 $0x4000, s22;
	s23 =	smov.u32 s26  }
0xcc: {  	[hbm4b:s25+s3] =	stream.linear.scatter [tilespmem:s24], [sflag:$0x3], $0x80, $0x38;
	[tilespmem:$0xE800] =	vst v63  }
0xcd: {  	s23 =	sadd.s32 $0xA400, s21  }
0xce: {  	[hbm4b:s22+s3] =	stream.linear.scatter [tilespmem:s23], [sflag:$0x3], $0x80, $0x38;
	[tilespmem:$0xE800] =	vst v63  }
0xcf: {  	s25 =	sadd.s32 $0xA488, s21;
	s26 =	sadd.s32 $0x10, s22  }
0xd0: {  	[hbm4b:s26+s3] =	stream.linear.scatter [tilespmem:s25], [sflag:$0x3], $0x80, $0x38;
	[tilespmem:$0xE800] =	vst v63  }
0xd1: {  	s28 =	sadd.s32 $0xA510, s21;
	s29 =	sadd.s32 $0x20, s22  }
0xd2: {  	[hbm4b:s29+s3] =	stream.linear.scatter [tilespmem:s28], [sflag:$0x3], $0x80, $0x38;
	[tilespmem:$0xE800] =	vst v63  }
0xd3: {  	s30 =	sadd.s32 $0xA598, s21;
	s31 =	sadd.s32 $0x30, s22  }
0xd4: {  	[hbm4b:s31+s3] =	stream.linear.scatter [tilespmem:s30], [sflag:$0x3], $0x80, $0x38;
	[tilespmem:$0xE800] =	vst v63  }
0xd5: {  	p1 =	seq.s32 s19, $0x63;
	s25 =	sadd.s32 $0xA620, s21;
	s26 =	sadd.s32 $0x40, s22  }
0xd6: {  	[hbm4b:s26+s3] =	stream.linear.scatter [tilespmem:s25], [sflag:$0x3], $0x80, $0x38;
	[tilespmem:$0xE800] =	vst v63  }
0xd7: {  	s28 =	sadd.s32 $0xA6A8, s21;
	s29 =	sadd.s32 $0x50, s22;
	s30 =	sadd.s32 $0xA730, s21  }
0xd8: {  	[hbm4b:s29+s3] =	stream.linear.scatter [tilespmem:s28], [sflag:$0x3], $0x80, $0x38;
	[tilespmem:$0xE800] =	vst v63  }
0xd9: {  	s31 =	sadd.s32 $0x60, s22;
	s25 =	sadd.s32 $0xA7B8, s21;
	s21 =	sshll.u32 @!p1 s19, $0x8  }
0xda: {  	[hbm4b:s31+s3] =	stream.linear.scatter [tilespmem:s30], [sflag:$0x3], $0x80, $0x38;
	[tilespmem:$0xE800] =	vst v63  }
0xdb: {  	s26 =	sadd.s32 $0x70, s22;
	s21 =	sand.u32 @!p1 $0x3FFFFF00, s21  }
0xdc: {  	[hbm4b:s26+s3] =	stream.linear.scatter [tilespmem:s25], [sflag:$0x3], $0x80, $0x38;
	[tilespmem:$0xE800] =	vst v63  }
0xdd: {  	s23 =	simm.s32 @!p1 $0x6400;
	s22 =	simm.s32 @!p1 $0x80;
	s21 =	sadd.s32 @!p1 $0x100, s21  }
0xde: {  	[tilespmem:s23], [sflag:$0x1] =	stream.indirect.gather @!p1 [hbm4b:s4+s22], $0x40, s21, s22, $0xb8;
	[tilespmem:$0xE800] =	vst v63  }
0xdf: {  	_ =	swait.ge [sflag:s14], $0x2000  }
0xe0: {  	[sflag:s14] =	ssyncset.done $0x0  }
0xe1: {  	s21 =	simm.s32 @!p0 $0x4;
	[sflag:s14] =	ssyncadd.s32 $0xFFFFE000  }
0xe2: {  	_ =	swait.ge @!p0 [sflag:s21], $0x2000  }
0xe3: {  	[sflag:s21] =	ssyncset.done @!p0 $0x0  }
0xe4: {  	s28 =	simm.s32 $0x0;
	[sflag:s21] =	ssyncadd.s32 @!p0 $0xFFFFE000;
	s21 =	simm.s32 $0x84F0  }
0xe5: {  	v4 =	vmov s28;
	v5 =	vld [tilespmem:s21+$0xFFFFFF10]  }
0xe6: {  	v4 =	vand.u32 $0x7C, v4  }
0xe7: {  	v6 =	vadd.s32 v0, v4;
	_ =	sdelay $0x2  }
0xe8: {  	v5 =	vmul.f32 $8.000000000e+00, v5;
	_ =	sdelay $0x1  }
0xe9: {  	[tilespmem:v6+s15+$0x0] =	vst.idx.msk $0xffff, v5  }
0xea: {  	v5 =	vld [tilespmem:s21+$0xFFFFFF20];
	_ =	sdelay $0x1  }
0xeb: {  	v6 =	vadd.s32 v1, v4;
	_ =	sdelay $0x2  }
0xec: {  	v5 =	vmul.f32 $8.000000000e+00, v5;
	_ =	sdelay $0x1  }
0xed: {  	[tilespmem:v6+s15+$0x0] =	vst.idx.msk $0xffff, v5  }
0xee: {  	v5 =	vld [tilespmem:s21+$0xFFFFFF30];
	_ =	sdelay $0x1  }
0xef: {  	v6 =	vadd.s32 v2, v4;
	_ =	sdelay $0x2  }
0xf0: {  	v5 =	vmul.f32 $8.000000000e+00, v5;
	_ =	sdelay $0x1  }
0xf1: {  	[tilespmem:v6+s15+$0x0] =	vst.idx.msk $0xffff, v5  }
0xf2: {  	v5 =	vld [tilespmem:s21+$0xFFFFFF40];
	_ =	sdelay $0x1  }
0xf3: {  	v4 =	vadd.s32 v3, v4;
	_ =	sdelay $0x2  }
0xf4: {  	v5 =	vmul.f32 $8.000000000e+00, v5;
	_ =	sdelay $0x1  }
0xf5: {  	s29 =	simm.s32 $0x1;
	[tilespmem:v4+s15+$0x0] =	vst.idx.msk $0xffff, v5  }
0xf6: {  	v4 =	vmov s29;
	v5 =	vld [tilespmem:s21+$0xFFFFFF50]  }
0xf7: {  	v4 =	vand.u32 $0x7D, v4  }
0xf8: {  	v6 =	vadd.s32 v0, v4;
	_ =	sdelay $0x2  }
0xf9: {  	v5 =	vmul.f32 $8.000000000e+00, v5;
	_ =	sdelay $0x1  }
0xfa: {  	[tilespmem:v6+s15+$0x0] =	vst.idx.msk $0xffff, v5  }
0xfb: {  	v5 =	vld [tilespmem:s21+$0xFFFFFF60];
	_ =	sdelay $0x1  }
0xfc: {  	v6 =	vadd.s32 v1, v4;
	_ =	sdelay $0x2  }
0xfd: {  	v5 =	vmul.f32 $8.000000000e+00, v5;
	_ =	sdelay $0x1  }
0xfe: {  	[tilespmem:v6+s15+$0x0] =	vst.idx.msk $0xffff, v5  }
0xff: {  	v5 =	vld [tilespmem:s21+$0xFFFFFF70];
	_ =	sdelay $0x1  }
0x100: {  	v6 =	vadd.s32 v2, v4;
	_ =	sdelay $0x2  }
0x101: {  	v5 =	vmul.f32 $8.000000000e+00, v5;
	_ =	sdelay $0x1  }
0x102: {  	[tilespmem:v6+s15+$0x0] =	vst.idx.msk $0xffff, v5  }
0x103: {  	v5 =	vld [tilespmem:s21+$0xFFFFFF80];
	_ =	sdelay $0x1  }
0x104: {  	v4 =	vadd.s32 v3, v4;
	_ =	sdelay $0x2  }
0x105: {  	v5 =	vmul.f32 $8.000000000e+00, v5;
	_ =	sdelay $0x1  }
0x106: {  	s30 =	simm.s32 $0x2;
	[tilespmem:v4+s15+$0x0] =	vst.idx.msk $0xffff, v5  }
0x107: {  	v4 =	vmov s30;
	v5 =	vld [tilespmem:s21+$0xFFFFFF90]  }
0x108: {  	v4 =	vand.u32 $0x7E, v4  }
0x109: {  	v6 =	vadd.s32 v0, v4;
	_ =	sdelay $0x2  }
0x10a: {  	v5 =	vmul.f32 $8.000000000e+00, v5;
	_ =	sdelay $0x1  }
0x10b: {  	[tilespmem:v6+s15+$0x0] =	vst.idx.msk $0xffff, v5  }
0x10c: {  	v5 =	vld [tilespmem:s21+$0xFFFFFFA0];
	_ =	sdelay $0x1  }
0x10d: {  	v6 =	vadd.s32 v1, v4;
	_ =	sdelay $0x2  }
0x10e: {  	v5 =	vmul.f32 $8.000000000e+00, v5;
	_ =	sdelay $0x1  }
0x10f: {  	[tilespmem:v6+s15+$0x0] =	vst.idx.msk $0xffff, v5  }
0x110: {  	v5 =	vld [tilespmem:s21+$0xFFFFFFB0];
	_ =	sdelay $0x1  }
0x111: {  	v6 =	vadd.s32 v2, v4;
	_ =	sdelay $0x2  }
0x112: {  	v5 =	vmul.f32 $8.000000000e+00, v5;
	_ =	sdelay $0x1  }
0x113: {  	[tilespmem:v6+s15+$0x0] =	vst.idx.msk $0xffff, v5  }
0x114: {  	v5 =	vld [tilespmem:s21+$0xFFFFFFC0];
	_ =	sdelay $0x1  }
0x115: {  	v4 =	vadd.s32 v3, v4;
	_ =	sdelay $0x2  }
0x116: {  	v5 =	vmul.f32 $8.000000000e+00, v5;
	_ =	sdelay $0x1  }
0x117: {  	s31 =	simm.s32 $0x3;
	[tilespmem:v4+s15+$0x0] =	vst.idx.msk $0xffff, v5  }
0x118: {  	v4 =	vmov s31;
	v5 =	vld [tilespmem:s21+$0xFFFFFFD0]  }
0x119: {  	v4 =	vand.u32 $0x7F, v4  }
0x11a: {  	v6 =	vadd.s32 v0, v4;
	_ =	sdelay $0x2  }
0x11b: {  	v5 =	vmul.f32 $8.000000000e+00, v5;
	_ =	sdelay $0x1  }
0x11c: {  	[tilespmem:v6+s15+$0x0] =	vst.idx.msk $0xffff, v5  }
0x11d: {  	v5 =	vld [tilespmem:s21+$0xFFFFFFE0];
	_ =	sdelay $0x1  }
0x11e: {  	v6 =	vadd.s32 v1, v4;
	_ =	sdelay $0x2  }
0x11f: {  	v5 =	vmul.f32 $8.000000000e+00, v5;
	_ =	sdelay $0x1  }
0x120: {  	[tilespmem:v6+s15+$0x0] =	vst.idx.msk $0xffff, v5  }
0x121: {  	v5 =	vld [tilespmem:s21+$0xFFFFFFF0];
	_ =	sdelay $0x1  }
0x122: {  	v6 =	vadd.s32 v2, v4;
	_ =	sdelay $0x2  }
0x123: {  	v5 =	vmul.f32 $8.000000000e+00, v5;
	_ =	sdelay $0x1  }
0x124: {  	[tilespmem:v6+s15+$0x0] =	vst.idx.msk $0xffff, v5  }
0x125: {  	v5 =	vld [tilespmem:s21+$0x0];
	_ =	sdelay $0x1  }
0x126: {  	v4 =	vadd.s32 v3, v4;
	_ =	sdelay $0x2  }
0x127: {  	s20 =	sor.u32 $0x1, s20;
	s22 =	simm.s32 $0x4;
	v5 =	vmul.f32 $8.000000000e+00, v5  }
.LBB2_7:
0x128: {  	p0 =	sne.s32 s22, $0x7C  }
0x129: {  	s21 =	sadd.s32 $0x100, s21;
	s23 =	smov.u32 s22;
	s22 =	sadd.s32 $0x4, s22;
	[tilespmem:v4+s15+$0x0] =	vst.idx.msk $0xffff, v5  }
0x12a: {  	v4 =	vmov s23;
	v5 =	vld [tilespmem:s21+$0xFFFFFF10]  }
0x12b: {  	v4 =	vand.u32 $0x7C, v4  }
0x12c: {  	v6 =	vadd.s32 v0, v4;
	_ =	sdelay $0x2  }
0x12d: {  	v5 =	vmul.f32 $8.000000000e+00, v5;
	_ =	sdelay $0x1  }
0x12e: {  	[tilespmem:v6+s15+$0x0] =	vst.idx.msk $0xffff, v5  }
0x12f: {  	v5 =	vld [tilespmem:s21+$0xFFFFFF20];
	_ =	sdelay $0x1  }
0x130: {  	v6 =	vadd.s32 v1, v4;
	_ =	sdelay $0x2  }
0x131: {  	v5 =	vmul.f32 $8.000000000e+00, v5;
	_ =	sdelay $0x1  }
0x132: {  	[tilespmem:v6+s15+$0x0] =	vst.idx.msk $0xffff, v5  }
0x133: {  	v5 =	vld [tilespmem:s21+$0xFFFFFF30];
	_ =	sdelay $0x1  }
0x134: {  	v6 =	vadd.s32 v2, v4;
	_ =	sdelay $0x2  }
0x135: {  	v5 =	vmul.f32 $8.000000000e+00, v5;
	_ =	sdelay $0x1  }
0x136: {  	[tilespmem:v6+s15+$0x0] =	vst.idx.msk $0xffff, v5  }
0x137: {  	v5 =	vld [tilespmem:s21+$0xFFFFFF40];
	_ =	sdelay $0x1  }
0x138: {  	v4 =	vadd.s32 v3, v4;
	_ =	sdelay $0x2  }
0x139: {  	v5 =	vmul.f32 $8.000000000e+00, v5;
	_ =	sdelay $0x1  }
0x13a: {  	s24 =	sadd.s32 $0x1, s23;
	[tilespmem:v4+s15+$0x0] =	vst.idx.msk $0xffff, v5  }
0x13b: {  	v4 =	vmov s24;
	v5 =	vld [tilespmem:s21+$0xFFFFFF50]  }
0x13c: {  	v4 =	vand.u32 $0x7D, v4  }
0x13d: {  	v6 =	vadd.s32 v0, v4;
	_ =	sdelay $0x2  }
0x13e: {  	v5 =	vmul.f32 $8.000000000e+00, v5;
	_ =	sdelay $0x1  }
0x13f: {  	[tilespmem:v6+s15+$0x0] =	vst.idx.msk $0xffff, v5  }
0x140: {  	v5 =	vld [tilespmem:s21+$0xFFFFFF60];
	_ =	sdelay $0x1  }
0x141: {  	v6 =	vadd.s32 v1, v4;
	_ =	sdelay $0x2  }
0x142: {  	v5 =	vmul.f32 $8.000000000e+00, v5;
	_ =	sdelay $0x1  }
0x143: {  	[tilespmem:v6+s15+$0x0] =	vst.idx.msk $0xffff, v5  }
0x144: {  	v5 =	vld [tilespmem:s21+$0xFFFFFF70];
	_ =	sdelay $0x1  }
0x145: {  	v6 =	vadd.s32 v2, v4;
	_ =	sdelay $0x2  }
0x146: {  	v5 =	vmul.f32 $8.000000000e+00, v5;
	_ =	sdelay $0x1  }
0x147: {  	[tilespmem:v6+s15+$0x0] =	vst.idx.msk $0xffff, v5  }
0x148: {  	v5 =	vld [tilespmem:s21+$0xFFFFFF80];
	_ =	sdelay $0x1  }
0x149: {  	v4 =	vadd.s32 v3, v4;
	_ =	sdelay $0x2  }
0x14a: {  	v5 =	vmul.f32 $8.000000000e+00, v5;
	_ =	sdelay $0x1  }
0x14b: {  	s24 =	sadd.s32 $0x2, s23;
	[tilespmem:v4+s15+$0x0] =	vst.idx.msk $0xffff, v5  }
0x14c: {  	v4 =	vmov s24;
	v5 =	vld [tilespmem:s21+$0xFFFFFF90]  }
0x14d: {  	v4 =	vand.u32 $0x7E, v4  }
0x14e: {  	v6 =	vadd.s32 v0, v4;
	_ =	sdelay $0x2  }
0x14f: {  	v5 =	vmul.f32 $8.000000000e+00, v5;
	_ =	sdelay $0x1  }
0x150: {  	[tilespmem:v6+s15+$0x0] =	vst.idx.msk $0xffff, v5  }
0x151: {  	v5 =	vld [tilespmem:s21+$0xFFFFFFA0];
	_ =	sdelay $0x1  }
0x152: {  	v6 =	vadd.s32 v1, v4;
	_ =	sdelay $0x2  }
0x153: {  	v5 =	vmul.f32 $8.000000000e+00, v5;
	_ =	sdelay $0x1  }
0x154: {  	[tilespmem:v6+s15+$0x0] =	vst.idx.msk $0xffff, v5  }
0x155: {  	v5 =	vld [tilespmem:s21+$0xFFFFFFB0];
	_ =	sdelay $0x1  }
0x156: {  	v6 =	vadd.s32 v2, v4;
	_ =	sdelay $0x2  }
0x157: {  	v5 =	vmul.f32 $8.000000000e+00, v5;
	_ =	sdelay $0x1  }
0x158: {  	[tilespmem:v6+s15+$0x0] =	vst.idx.msk $0xffff, v5  }
0x159: {  	v5 =	vld [tilespmem:s21+$0xFFFFFFC0];
	_ =	sdelay $0x1  }
0x15a: {  	v4 =	vadd.s32 v3, v4;
	_ =	sdelay $0x2  }
0x15b: {  	v5 =	vmul.f32 $8.000000000e+00, v5;
	_ =	sdelay $0x1  }
0x15c: {  	s23 =	sadd.s32 $0x3, s23;
	[tilespmem:v4+s15+$0x0] =	vst.idx.msk $0xffff, v5  }
0x15d: {  	v4 =	vmov s23;
	v5 =	vld [tilespmem:s21+$0xFFFFFFD0]  }
0x15e: {  	v4 =	vand.u32 $0x7F, v4  }
0x15f: {  	v6 =	vadd.s32 v0, v4;
	_ =	sdelay $0x2  }
0x160: {  	v5 =	vmul.f32 $8.000000000e+00, v5;
	_ =	sdelay $0x1  }
0x161: {  	[tilespmem:v6+s15+$0x0] =	vst.idx.msk $0xffff, v5  }
0x162: {  	v5 =	vld [tilespmem:s21+$0xFFFFFFE0];
	_ =	sdelay $0x1  }
0x163: {  	v6 =	vadd.s32 v1, v4;
	_ =	sdelay $0x2  }
0x164: {  	v5 =	vmul.f32 $8.000000000e+00, v5;
	_ =	sdelay $0x1  }
0x165: {  	[tilespmem:v6+s15+$0x0] =	vst.idx.msk $0xffff, v5  }
0x166: {  	v5 =	vld [tilespmem:s21+$0xFFFFFFF0];
	_ =	sdelay $0x1  }
0x167: {  	v6 =	vadd.s32 v2, v4;
	_ =	sdelay $0x2  }
0x168: {  	v5 =	vmul.f32 $8.000000000e+00, v5;
	_ =	sdelay $0x1  }
0x169: {  	[tilespmem:v6+s15+$0x0] =	vst.idx.msk $0xffff, v5  }
0x16a: {  	v5 =	vld [tilespmem:s21+$0x0]  }
.Ltmp4:
0x16b: {  	(pc) =	sbr.rel @p0 .LBB2_7-.Ltmp4, $2  }
0x16c: {  	v4 =	vadd.s32 v3, v4;
	_ =	sdelay $0x2  }
0x16d: {  	v5 =	vmul.f32 $8.000000000e+00, v5  }
0x16e: {  	s20 =	sadd.s32 s6, s20  }
0x16f: {  	s21 =	sshll.u32 s20, $0x7  }
0x170: {  	s20 =	sshll.u32 s20, $0xA;
	s21 =	sand.u32 $0x3F80, s21  }
0x171: {  	s20 =	sand.u32 $0xFFE0000, s20;
	s21 =	sadd.s32 s2, s21  }
0x172: {  	s28 =	simm.s32 $0xC600;
	[tilespmem:v4+s15+$0x0] =	vst.idx.msk $0xffff, v5;
	s21 =	sadd.s32 s20, s21  }
0x173: {  	[hbm4b:s21+s3] =	stream.linear.scatter [tilespmem:s28], [sflag:$0x4], $0x80, $0x38;
	[tilespmem:$0xE800] =	vst v63  }
0x174: {  	s29 =	simm.s32 $0xC688;
	s22 =	sadd.s32 $0x10, s21  }
0x175: {  	[hbm4b:s22+s3] =	stream.linear.scatter [tilespmem:s29], [sflag:$0x4], $0x80, $0x38;
	[tilespmem:$0xE800] =	vst v63  }
0x176: {  	s30 =	simm.s32 $0xC710;
	s23 =	simm.s32 $0xC798;
	s31 =	sadd.s32 $0x20, s21  }
0x177: {  	[hbm4b:s31+s3] =	stream.linear.scatter [tilespmem:s30], [sflag:$0x4], $0x80, $0x38;
	[tilespmem:$0xE800] =	vst v63  }
0x178: {  	s25 =	simm.s32 $0xC820;
	s20 =	simm.s32 $0x440;
	s24 =	sadd.s32 $0x30, s21  }
0x179: {  	[hbm4b:s24+s3] =	stream.linear.scatter [tilespmem:s23], [sflag:$0x4], $0x80, $0x38;
	[tilespmem:$0xE800] =	vst v63  }
0x17a: {  	s26 =	sadd.s32 $0x40, s21;
	s28 =	simm.s32 $0xC8A8;
	s29 =	sadd.s32 $0x50, s21  }
0x17b: {  	[hbm4b:s26+s3] =	stream.linear.scatter [tilespmem:s25], [sflag:$0x4], $0x80, $0x38;
	[tilespmem:$0xE800] =	vst v63  }
0x17c: {  	s22 =	simm.s32 $0x2200;
	s30 =	simm.s32 $0xC930;
	s31 =	sadd.s32 $0x60, s21  }
0x17d: {  	[hbm4b:s29+s3] =	stream.linear.scatter [tilespmem:s28], [sflag:$0x4], $0x80, $0x38;
	[tilespmem:$0xE800] =	vst v63  }
0x17e: {  	s23 =	simm.s32 $0xC9B8;
	s24 =	sadd.s32 $0x70, s21;
	s21 =	sadd.s32 $0x4000, s21  }
0x17f: {  	[hbm4b:s31+s3] =	stream.linear.scatter [tilespmem:s30], [sflag:$0x4], $0x80, $0x38;
	[tilespmem:$0xE800] =	vst v63  }
.LBB2_9:
0x180: {  	[hbm4b:s24+s3] =	stream.linear.scatter [tilespmem:s23], [sflag:$0x4], $0x80, $0x38;
	[tilespmem:$0xE800] =	vst v63  }
0x181: {  	s23 =	smov.u32 s20;
	s20 =	smov.u32 s22  }
0x182: {  	s25 =	sadd.s32 $0x1100, s22;
	s20 =	sshra.s32 s20, $0x2;
	s24 =	sadd.s32 $0xC600, s23  }
0x183: {  	[hbm4b:s21+s3] =	stream.linear.scatter [tilespmem:s24], [sflag:$0x4], $0x80, $0x38;
	[tilespmem:$0xE800] =	vst v63  }
0x184: {  	p0 =	sne.s32 s22, $0x7700;
	s22 =	sadd.s32 $0xC688, s23;
	s24 =	sadd.s32 $0x10, s21  }
0x185: {  	[hbm4b:s24+s3] =	stream.linear.scatter [tilespmem:s22], [sflag:$0x4], $0x80, $0x38;
	[tilespmem:$0xE800] =	vst v63  }
0x186: {  	s22 =	sadd.s32 $0xC710, s23;
	s24 =	sadd.s32 $0x20, s21  }
0x187: {  	[hbm4b:s24+s3] =	stream.linear.scatter [tilespmem:s22], [sflag:$0x4], $0x80, $0x38;
	[tilespmem:$0xE800] =	vst v63  }
0x188: {  	s22 =	sadd.s32 $0xC798, s23;
	s24 =	sadd.s32 $0x30, s21  }
0x189: {  	[hbm4b:s24+s3] =	stream.linear.scatter [tilespmem:s22], [sflag:$0x4], $0x80, $0x38;
	[tilespmem:$0xE800] =	vst v63  }
0x18a: {  	s22 =	sadd.s32 $0xC820, s23;
	s24 =	sadd.s32 $0x40, s21  }
0x18b: {  	[hbm4b:s24+s3] =	stream.linear.scatter [tilespmem:s22], [sflag:$0x4], $0x80, $0x38;
	[tilespmem:$0xE800] =	vst v63  }
.Ltmp5:
0x18c: {  	s22 =	sadd.s32 $0xC8A8, s23;
	s24 =	sadd.s32 $0x50, s21;
	(pc) =	sbr.rel @p0 .LBB2_9-.Ltmp5, $4  }
0x18d: {  	[hbm4b:s24+s3] =	stream.linear.scatter [tilespmem:s22], [sflag:$0x4], $0x80, $0x38;
	[tilespmem:$0xE800] =	vst v63  }
0x18e: {  	s22 =	sadd.s32 $0xC930, s23;
	s24 =	sadd.s32 $0x60, s21;
	s23 =	sadd.s32 $0xC9B8, s23  }
0x18f: {  	[hbm4b:s24+s3] =	stream.linear.scatter [tilespmem:s22], [sflag:$0x4], $0x80, $0x38;
	[tilespmem:$0xE800] =	vst v63  }
0x190: {  	s24 =	sadd.s32 $0x70, s21;
	s21 =	sadd.s32 $0x4000, s21;
	s22 =	smov.u32 s25  }
0x191: {  	[hbm4b:s24+s3] =	stream.linear.scatter [tilespmem:s23], [sflag:$0x4], $0x80, $0x38;
	[tilespmem:$0xE800] =	vst v63  }
0x192: {  	s22 =	sadd.s32 $0xC600, s20  }
0x193: {  	[hbm4b:s21+s3] =	stream.linear.scatter [tilespmem:s22], [sflag:$0x4], $0x80, $0x38;
	[tilespmem:$0xE800] =	vst v63  }
0x194: {  	s25 =	sadd.s32 $0xC688, s20;
	s26 =	sadd.s32 $0x10, s21  }
0x195: {  	[hbm4b:s26+s3] =	stream.linear.scatter [tilespmem:s25], [sflag:$0x4], $0x80, $0x38;
	[tilespmem:$0xE800] =	vst v63  }
0x196: {  	s28 =	sadd.s32 $0xC710, s20;
	s29 =	sadd.s32 $0x20, s21  }
0x197: {  	[hbm4b:s29+s3] =	stream.linear.scatter [tilespmem:s28], [sflag:$0x4], $0x80, $0x38;
	[tilespmem:$0xE800] =	vst v63  }
0x198: {  	s30 =	sadd.s32 $0xC798, s20;
	s31 =	sadd.s32 $0x30, s21  }
0x199: {  	[hbm4b:s31+s3] =	stream.linear.scatter [tilespmem:s30], [sflag:$0x4], $0x80, $0x38;
	[tilespmem:$0xE800] =	vst v63  }
0x19a: {  	s23 =	sadd.s32 $0xC820, s20;
	s24 =	sadd.s32 $0x40, s21  }
0x19b: {  	[hbm4b:s24+s3] =	stream.linear.scatter [tilespmem:s23], [sflag:$0x4], $0x80, $0x38;
	[tilespmem:$0xE800] =	vst v63  }
0x19c: {  	s25 =	sadd.s32 $0xC8A8, s20;
	s26 =	sadd.s32 $0x50, s21  }
0x19d: {  	[hbm4b:s26+s3] =	stream.linear.scatter [tilespmem:s25], [sflag:$0x4], $0x80, $0x38;
	[tilespmem:$0xE800] =	vst v63  }
.Ltmp6:
0x19e: {  	_ = 	snop;
	(pc) =	sbr.rel @p1 .LBB2_12-.Ltmp6, $4  }
0x19f: {  	s28 =	sadd.s32 $0xC930, s20;
	s29 =	sadd.s32 $0x60, s21  }
0x1a0: {  	[hbm4b:s29+s3] =	stream.linear.scatter [tilespmem:s28], [sflag:$0x4], $0x80, $0x38;
	[tilespmem:$0xE800] =	vst v63  }
0x1a1: {  	s30 =	sadd.s32 $0xC9B8, s20;
	s31 =	sadd.s32 $0x70, s21  }
0x1a2: {  	[hbm4b:s31+s3] =	stream.linear.scatter [tilespmem:s30], [sflag:$0x4], $0x80, $0x38;
	[tilespmem:$0xE800] =	vst v63  }
.Ltmp7:
0x1a3: {  	(pc) =	sbr.rel .LBB2_2-.Ltmp7, $4  }
0x1a4: {  	s20 =	sshll.u32 s19, $0x8  }
0x1a5: {  	s20 =	sand.u32 $0x3FFFFF00, s20  }
0x1a6: {  	s19 =	sadd.s32 $0x1, s19;
	s20 =	sadd.s32 $0x180, s20  }
0x1a7: {  	[tilespmem:s11], [sflag:$0x2] =	stream.indirect.gather [hbm4b:s4+s9], $0x40, s20, s9, $0xb8;
	[tilespmem:$0xE800] =	vst v63  }
.LBB2_13:
0x1a8: {  	_ =	sfence.sel $0x180000  }
0x1a9: {  	[bflag:$0x0] =	sbarrier.arrive $0xFFFF  }
0x1aa: {  	p0 =	sne.s32 s0, $0x0;
	_ =	strace $0x90000047  }
0x1ab: {  	s0 =	sadd.s32 @!p0 $0x100000, s1;
	[bflag:$0x2] =	sbarrier.arrive $0xFFFF  }
0x1ac: {  	[sflag:s0] =	ssyncadd.tile.s32 @!p0 $0x1;
	_ =	shalt  }
.Lfunc_end2:
_tile_overlayer_lowered:
.L_overlay_start_2:
0x1ad: {  	(tag) =	ssettag $0x2  }
0x1ae: {  	s0 =	rddreg [dreg:$0x0];
	s2 =	stileid.u32  }
0x1af: {  	s1 =	rddreg [dreg:$0x1];
	p0 =	sne.s32 s2, $0x0  }
0x1b0: {  	s3 =	rddreg [dreg:$0x2];
	[bflag:$0x3] =	sbarrier.arrive $0xFFFF;
	s2 =	simm.s32 @!p0 $0x1C05  }
0x1b1: {  	[timem:s3], [sflag:s2] =	dma.local @!p0 [hbm:s0], s1  }
0x1b2: {  	s0 =	simm.s32 @!p0 $0x5  }
0x1b3: {  	_ =	swait.ge @!p0 [sflag:s0], s1  }
0x1b4: {  	s1 =	ssub.s32 @!p0 $0x0, s1;
	[sflag:s0] =	ssyncset.done @!p0 $0x0  }
0x1b5: {  	[sflag:s0] =	ssyncadd.s32 @!p0 s1  }
0x1b6: {  	[bflag:$0x3] =	sbarrier.arrive $0xFFFF  }
0x1b7: {  	_ =	shalt  }

</sc_bundles>
